<compile_context>
chip_gen: v7x
topology: tpu7x:2x2x1
jax: 0.10.2.dev20260603
libtpu: 0.0.44.dev20260713+nightly
codegen_flags: <defaults>
</compile_context>

<pallas_src>
import jax
import jax.numpy as jnp
from jax import lax
from jax.experimental import pallas as pl
from jax.experimental.pallas import tpu as pltpu
from jax.experimental.pallas import tpu_sc as plsc

NC = 2
NS = 16
NW = NC * NS
K = 4
LANES = 16


def kernel(inputs, embedding):
    batch, hist = inputs.shape
    features = embedding.shape[1]
    assert batch % NW == 0
    rows_per_w = batch // NW
    assert rows_per_w % (2 * K) == 0
    pairs = rows_per_w // (2 * K)
    assert features % LANES == 0
    fblocks = features // LANES

    def body(table_hbm, idx_hbm, out_hbm, idx0, idx1, rows0, rows1, sel,
             si0, si1, sg0, sg1, so):
        idxs = (idx0, idx1)
        rows = (rows0, rows1)
        sem_i = (si0, si1)
        sem_g = (sg0, sg1)
        wid = lax.axis_index("s") * NC + lax.axis_index("c")
        base = wid * rows_per_w

        def fire_idx(h, buf, sem):
            pltpu.async_copy(idx_hbm.at[pl.ds(base + h * K, K)], buf, sem)

        def wait_idx(h, buf, sem):
            pltpu.make_async_copy(idx_hbm.at[pl.ds(base + h * K, K)],
                                  buf, sem).wait()

        def fire_gathers(buf, idx_v, sem):
            for j in range(K):
                pltpu.async_copy(table_hbm.at[idx_v.at[j]], buf.at[j], sem)

        def wait_gathers(buf, idx_v, sem):
            for j in range(K):
                pltpu.make_async_copy(table_hbm.at[idx_v.at[j]],
                                      buf.at[j], sem).wait()

        def compact(buf, half):
            for j in range(K):
                @pl.loop(0, hist)
                def _(r):
                    for c in range(fblocks):
                        sel[half * K + j, r, pl.ds(c * LANES, LANES)] = (
                            buf[j, r, pl.ds(c * LANES, LANES)])

        def fire_out(p):
            pltpu.async_copy(sel, out_hbm.at[pl.ds(base + p * 2 * K, 2 * K)],
                             so)

        def drain_out():
            pltpu.make_async_copy(sel, out_hbm.at[pl.ds(base, 2 * K)],
                                  so).wait()

        fire_idx(0, idxs[0], sem_i[0])
        fire_idx(1, idxs[1], sem_i[1])
        wait_idx(0, idxs[0], sem_i[0])
        fire_gathers(rows[0], idxs[0], sem_g[0])

        @pl.loop(0, pairs)
        def _(p):
            for b in range(2):
                h = p * 2 + b
                nb = 1 - b
                @pl.when(h + 1 < 2 * pairs)
                def _():
                    wait_idx(h + 1, idxs[nb], sem_i[nb])
                    fire_gathers(rows[nb], idxs[nb], sem_g[nb])
                wait_gathers(rows[b], idxs[b], sem_g[b])
                @pl.when(h + 2 < 2 * pairs)
                def _():
                    fire_idx(h + 2, idxs[b], sem_i[b])
                if b == 0:
                    @pl.when(p > 0)
                    def _():
                        drain_out()
                compact(rows[b], b)
            fire_out(p)

        drain_out()

    padded_table = jnp.pad(embedding.T, ((0, 128 - features), (0, 0))).T
    return pl.kernel(
        body,
        out_type=jax.ShapeDtypeStruct((batch, hist, features), jnp.float32),
        mesh=plsc.VectorSubcoreMesh(core_axis_name="c", subcore_axis_name="s"),
        scratch_types=[
            pltpu.VMEM((K, hist), jnp.int32),
            pltpu.VMEM((K, hist), jnp.int32),
            pltpu.VMEM((K, hist, 128), jnp.float32),
            pltpu.VMEM((K, hist, 128), jnp.float32),
            pltpu.VMEM((2 * K, hist, features), jnp.float32),
            pltpu.SemaphoreType.DMA,
            pltpu.SemaphoreType.DMA,
            pltpu.SemaphoreType.DMA,
            pltpu.SemaphoreType.DMA,
            pltpu.SemaphoreType.DMA,
        ],
        compiler_params=pltpu.CompilerParams(use_tc_tiling_on_sc=True),
    )(padded_table, inputs)

# --- scband reference (transcript-rebuilt; emitter-appended) ---
"""Pipeline reference for scband-embed-73839077753236 (READ-ONLY COPY).

The authoritative reference and input builder live on the scoring server;
editing this copy changes nothing except your own understanding.
"""

import jax, jax.numpy as jnp
import numpy as np

NUM_EMBEDDINGS = 1000000
FEATURES = 64
BATCH = 16384
HIST = 50


def setup_inputs(seed: int = 0) -> dict:
    key = jax.random.key(seed)
    k_idx, k_emb = jax.random.split(key)
    inputs = jax.random.randint(k_idx, (BATCH, HIST), 0, NUM_EMBEDDINGS, dtype=jnp.int32)
    # default_embed_init = variance_scaling(1.0, 'fan_in', 'normal', out_axis=0)
    # For shape (num_embeddings, features) with out_axis=0, fan_in = features.
    std = 1.0 / np.sqrt(FEATURES)
    embedding = jax.random.normal(k_emb, (NUM_EMBEDDINGS, FEATURES), dtype=jnp.float32) * std
    return {"inputs": inputs, "embedding": embedding}


def reference(inputs, embedding):
    # Embed.__call__ with one_hot=False, dtype=float32:
    # plain gather along vocab axis; output shape = inputs.shape + (features,)
    output = jnp.asarray(embedding, jnp.float32)[inputs]
    return output

if __name__ == "__main__":
    import jax
    _d = setup_inputs()
    print(jax.jit(kernel)(*tuple(_d.values())))

</pallas_src>

<mosaic_0001>
#map = affine_map<(d0, d1) -> (0, 0)>
#map1 = affine_map<(d0, d1) -> (0, 0, 0)>
module attributes {stable_mosaic.version = 14 : i64} {
  func.func @body(%arg0: i32, %arg1: i32, %arg2: memref<1000000x128xf32, #tpu.memory_space<hbm>>, %arg3: memref<16384x50xi32, #tpu.memory_space<hbm>>, %arg4: memref<16384x50x64xf32, #tpu.memory_space<hbm>>, %arg5: memref<4x50xi32, #tpu.memory_space<vmem>>, %arg6: memref<4x50xi32, #tpu.memory_space<vmem>>, %arg7: memref<4x50x128xf32, #tpu.memory_space<vmem>>, %arg8: memref<4x50x128xf32, #tpu.memory_space<vmem>>, %arg9: memref<8x50x64xf32, #tpu.memory_space<vmem>>, %arg10: memref<!tpu.dma_semaphore, #tpu.memory_space<semaphore_mem>>, %arg11: memref<!tpu.dma_semaphore, #tpu.memory_space<semaphore_mem>>, %arg12: memref<!tpu.dma_semaphore, #tpu.memory_space<semaphore_mem>>, %arg13: memref<!tpu.dma_semaphore, #tpu.memory_space<semaphore_mem>>, %arg14: memref<!tpu.dma_semaphore, #tpu.memory_space<semaphore_mem>>) attributes {dimension_semantics = [#tpu.dimension_semantics<core_parallel>, #tpu.dimension_semantics<subcore_parallel>], iteration_bounds = array<i64: 2, 16>, scalar_prefetch = 0 : i64, scratch_operands = 10 : i64, tpu.core_type = #tpu.core_type<sc_vector_subcore>, window_params = [{transform_indices = #map}, {transform_indices = #map}, {transform_indices = #map1}]} {
    %mul3A = arith.constant 2 : i32
    %mul3A_0 = arith.muli %arg1, %mul3A : i32
    %add3A = arith.addi %mul3A_0, %arg0 : i32
    %mul3A_1 = arith.constant 512 : i32
    %mul3A_2 = arith.muli %add3A, %mul3A_1 : i32
    %add3A_3 = arith.constant 0 : i32
    %add3A_4 = arith.addi %mul3A_2, %add3A_3 : i32
    %dma_start3A = arith.constant 0 : i32
    %dma_start3A_5 = tpu.memref_slice %arg3[%add3A_4, %dma_start3A] : memref<16384x50xi32, #tpu.memory_space<hbm>> -> memref<4x50xi32, #tpu.memory_space<hbm>>
    %dma_start3A_6 = arith.constant 0 : i32
    %dma_start3A_7 = tpu.memref_slice %arg3[%add3A_4, %dma_start3A_6] : memref<16384x50xi32, #tpu.memory_space<hbm>> -> memref<4x50xi32, #tpu.memory_space<hbm>>
    tpu.enqueue_dma source(%dma_start3A_7 : memref<4x50xi32, #tpu.memory_space<hbm>>) target(%arg5 : memref<4x50xi32, #tpu.memory_space<vmem>>) target_semaphore(%arg10 : memref<!tpu.dma_semaphore, #tpu.memory_space<semaphore_mem>>)
    %add3A_8 = arith.constant 4 : i32
    %add3A_9 = arith.addi %mul3A_2, %add3A_8 : i32
    %dma_start3A_10 = arith.constant 0 : i32
    %dma_start3A_11 = tpu.memref_slice %arg3[%add3A_9, %dma_start3A_10] : memref<16384x50xi32, #tpu.memory_space<hbm>> -> memref<4x50xi32, #tpu.memory_space<hbm>>
    %dma_start3A_12 = arith.constant 0 : i32
    %dma_start3A_13 = tpu.memref_slice %arg3[%add3A_9, %dma_start3A_12] : memref<16384x50xi32, #tpu.memory_space<hbm>> -> memref<4x50xi32, #tpu.memory_space<hbm>>
    tpu.enqueue_dma source(%dma_start3A_13 : memref<4x50xi32, #tpu.memory_space<hbm>>) target(%arg6 : memref<4x50xi32, #tpu.memory_space<vmem>>) target_semaphore(%arg11 : memref<!tpu.dma_semaphore, #tpu.memory_space<semaphore_mem>>)
    %add3A_14 = arith.constant 0 : i32
    %add3A_15 = arith.addi %mul3A_2, %add3A_14 : i32
    %dma_wait3A = arith.constant 0 : i32
    %dma_wait3A_16 = tpu.memref_slice %arg3[%add3A_15, %dma_wait3A] : memref<16384x50xi32, #tpu.memory_space<hbm>> -> memref<4x50xi32, #tpu.memory_space<hbm>>
    %dma_wait3A_17 = arith.constant 0 : i32
    %dma_wait3A_18 = tpu.memref_slice %arg3[%add3A_15, %dma_wait3A_17] : memref<16384x50xi32, #tpu.memory_space<hbm>> -> memref<4x50xi32, #tpu.memory_space<hbm>>
    tpu.wait_dma2 semaphore(%arg10 : memref<!tpu.dma_semaphore, #tpu.memory_space<semaphore_mem>>) src(%dma_wait3A_18 : memref<4x50xi32, #tpu.memory_space<hbm>>) dst(%arg5 : memref<4x50xi32, #tpu.memory_space<vmem>>)
    %dma_start3A_19 = arith.constant 0 : i32
    %dma_start3A_20 = arith.constant 0 : i32
    %dma_start3A_21 = arith.constant 0 : i32
    %dma_start3A_22 = arith.constant 0 : i32
    %dma_start3A_23 = tpu.memref_slice %arg7[%dma_start3A_20, %dma_start3A_21, %dma_start3A_22] : memref<4x50x128xf32, #tpu.memory_space<vmem>> -> memref<1x50x128xf32, #tpu.memory_space<vmem>>
    %dma_start3A_24 = tpu.memref_squeeze %dma_start3A_23 : memref<1x50x128xf32, #tpu.memory_space<vmem>> -> memref<50x128xf32, #tpu.memory_space<vmem>>
    %dma_start3A_25 = arith.constant 0 : i32
    %dma_start3A_26 = tpu.memref_slice %arg5[%dma_start3A_19, %dma_start3A_25] : memref<4x50xi32, #tpu.memory_space<vmem>> -> memref<1x50xi32, #tpu.memory_space<vmem>>
    %dma_start3A_27 = tpu.memref_squeeze %dma_start3A_26 : memref<1x50xi32, #tpu.memory_space<vmem>> -> memref<50xi32, #tpu.memory_space<vmem>>
    %dma_start3A_28 = arith.constant 0 : i32
    %dma_start3A_29 = arith.constant 0 : i32
    %dma_start3A_30 = tpu.memref_slice %arg2[%dma_start3A_28, %dma_start3A_29] : memref<1000000x128xf32, #tpu.memory_space<hbm>> -> memref<1000000x128xf32, #tpu.memory_space<hbm>>
    tpu.enqueue_indirect_dma source(%dma_start3A_30 : memref<1000000x128xf32, #tpu.memory_space<hbm>>) target(%dma_start3A_24 : memref<50x128xf32, #tpu.memory_space<vmem>>) offsets(%dma_start3A_27 : memref<50xi32, #tpu.memory_space<vmem>>) semaphore(%arg12 : memref<!tpu.dma_semaphore, #tpu.memory_space<semaphore_mem>>)
    %dma_start3A_31 = arith.constant 1 : i32
    %dma_start3A_32 = arith.constant 1 : i32
    %dma_start3A_33 = arith.constant 0 : i32
    %dma_start3A_34 = arith.constant 0 : i32
    %dma_start3A_35 = tpu.memref_slice %arg7[%dma_start3A_32, %dma_start3A_33, %dma_start3A_34] : memref<4x50x128xf32, #tpu.memory_space<vmem>> -> memref<1x50x128xf32, #tpu.memory_space<vmem>>
    %dma_start3A_36 = tpu.memref_squeeze %dma_start3A_35 : memref<1x50x128xf32, #tpu.memory_space<vmem>> -> memref<50x128xf32, #tpu.memory_space<vmem>>
    %dma_start3A_37 = arith.constant 0 : i32
    %dma_start3A_38 = tpu.memref_slice %arg5[%dma_start3A_31, %dma_start3A_37] : memref<4x50xi32, #tpu.memory_space<vmem>> -> memref<1x50xi32, #tpu.memory_space<vmem>>
    %dma_start3A_39 = tpu.memref_squeeze %dma_start3A_38 : memref<1x50xi32, #tpu.memory_space<vmem>> -> memref<50xi32, #tpu.memory_space<vmem>>
    %dma_start3A_40 = arith.constant 0 : i32
    %dma_start3A_41 = arith.constant 0 : i32
    %dma_start3A_42 = tpu.memref_slice %arg2[%dma_start3A_40, %dma_start3A_41] : memref<1000000x128xf32, #tpu.memory_space<hbm>> -> memref<1000000x128xf32, #tpu.memory_space<hbm>>
    tpu.enqueue_indirect_dma source(%dma_start3A_42 : memref<1000000x128xf32, #tpu.memory_space<hbm>>) target(%dma_start3A_36 : memref<50x128xf32, #tpu.memory_space<vmem>>) offsets(%dma_start3A_39 : memref<50xi32, #tpu.memory_space<vmem>>) semaphore(%arg12 : memref<!tpu.dma_semaphore, #tpu.memory_space<semaphore_mem>>)
    %dma_start3A_43 = arith.constant 2 : i32
    %dma_start3A_44 = arith.constant 2 : i32
    %dma_start3A_45 = arith.constant 0 : i32
    %dma_start3A_46 = arith.constant 0 : i32
    %dma_start3A_47 = tpu.memref_slice %arg7[%dma_start3A_44, %dma_start3A_45, %dma_start3A_46] : memref<4x50x128xf32, #tpu.memory_space<vmem>> -> memref<1x50x128xf32, #tpu.memory_space<vmem>>
    %dma_start3A_48 = tpu.memref_squeeze %dma_start3A_47 : memref<1x50x128xf32, #tpu.memory_space<vmem>> -> memref<50x128xf32, #tpu.memory_space<vmem>>
    %dma_start3A_49 = arith.constant 0 : i32
    %dma_start3A_50 = tpu.memref_slice %arg5[%dma_start3A_43, %dma_start3A_49] : memref<4x50xi32, #tpu.memory_space<vmem>> -> memref<1x50xi32, #tpu.memory_space<vmem>>
    %dma_start3A_51 = tpu.memref_squeeze %dma_start3A_50 : memref<1x50xi32, #tpu.memory_space<vmem>> -> memref<50xi32, #tpu.memory_space<vmem>>
    %dma_start3A_52 = arith.constant 0 : i32
    %dma_start3A_53 = arith.constant 0 : i32
    %dma_start3A_54 = tpu.memref_slice %arg2[%dma_start3A_52, %dma_start3A_53] : memref<1000000x128xf32, #tpu.memory_space<hbm>> -> memref<1000000x128xf32, #tpu.memory_space<hbm>>
    tpu.enqueue_indirect_dma source(%dma_start3A_54 : memref<1000000x128xf32, #tpu.memory_space<hbm>>) target(%dma_start3A_48 : memref<50x128xf32, #tpu.memory_space<vmem>>) offsets(%dma_start3A_51 : memref<50xi32, #tpu.memory_space<vmem>>) semaphore(%arg12 : memref<!tpu.dma_semaphore, #tpu.memory_space<semaphore_mem>>)
    %dma_start3A_55 = arith.constant 3 : i32
    %dma_start3A_56 = arith.constant 3 : i32
    %dma_start3A_57 = arith.constant 0 : i32
    %dma_start3A_58 = arith.constant 0 : i32
    %dma_start3A_59 = tpu.memref_slice %arg7[%dma_start3A_56, %dma_start3A_57, %dma_start3A_58] : memref<4x50x128xf32, #tpu.memory_space<vmem>> -> memref<1x50x128xf32, #tpu.memory_space<vmem>>
    %dma_start3A_60 = tpu.memref_squeeze %dma_start3A_59 : memref<1x50x128xf32, #tpu.memory_space<vmem>> -> memref<50x128xf32, #tpu.memory_space<vmem>>
    %dma_start3A_61 = arith.constant 0 : i32
    %dma_start3A_62 = tpu.memref_slice %arg5[%dma_start3A_55, %dma_start3A_61] : memref<4x50xi32, #tpu.memory_space<vmem>> -> memref<1x50xi32, #tpu.memory_space<vmem>>
    %dma_start3A_63 = tpu.memref_squeeze %dma_start3A_62 : memref<1x50xi32, #tpu.memory_space<vmem>> -> memref<50xi32, #tpu.memory_space<vmem>>
    %dma_start3A_64 = arith.constant 0 : i32
    %dma_start3A_65 = arith.constant 0 : i32
    %dma_start3A_66 = tpu.memref_slice %arg2[%dma_start3A_64, %dma_start3A_65] : memref<1000000x128xf32, #tpu.memory_space<hbm>> -> memref<1000000x128xf32, #tpu.memory_space<hbm>>
    tpu.enqueue_indirect_dma source(%dma_start3A_66 : memref<1000000x128xf32, #tpu.memory_space<hbm>>) target(%dma_start3A_60 : memref<50x128xf32, #tpu.memory_space<vmem>>) offsets(%dma_start3A_63 : memref<50xi32, #tpu.memory_space<vmem>>) semaphore(%arg12 : memref<!tpu.dma_semaphore, #tpu.memory_space<semaphore_mem>>)
    %scan3A = arith.constant 0 : i32
    %scan3A_67 = arith.constant 64 : i32
    %scan3A_68 = arith.addi %scan3A, %scan3A_67 : i32
    %scan3A_69 = arith.constant 1 : i32
    scf.for %scan3A_77 = %scan3A to %scan3A_68 step %scan3A_69  : i32 {
      %mul3A_78 = arith.constant 1 : i32
      %mul3A_79 = arith.muli %scan3A_77, %mul3A_78 : i32
      %add3A_80 = arith.constant 0 : i32
      %add3A_81 = arith.addi %add3A_80, %mul3A_79 : i32
      %mul3A_82 = arith.constant 2 : i32
      %mul3A_83 = arith.muli %add3A_81, %mul3A_82 : i32
      %add3A_84 = arith.constant 0 : i32
      %add3A_85 = arith.addi %mul3A_83, %add3A_84 : i32
      %add3A_86 = arith.constant 1 : i32
      %add3A_87 = arith.addi %add3A_85, %add3A_86 : i32
      %lt3A = arith.constant 128 : i32
      %lt3A_88 = arith.cmpi slt, %add3A_87, %lt3A : i32
      %convert_element_type3A = arith.extui %lt3A_88 : i1 to i32
      %cond3A = arith.constant 0 : i32
      %cond3A_89 = arith.cmpi ne, %convert_element_type3A, %cond3A : i32
      scf.if %cond3A_89 {
        %add3A_266 = arith.constant 1 : i32
        %add3A_267 = arith.addi %add3A_85, %add3A_266 : i32
        %mul3A_268 = arith.constant 4 : i32
        %mul3A_269 = arith.muli %add3A_267, %mul3A_268 : i32
        %add3A_270 = arith.addi %mul3A_2, %mul3A_269 : i32
        %dma_wait3A_271 = arith.constant 0 : i32
        %dma_wait3A_272 = tpu.memref_slice %arg3[%add3A_270, %dma_wait3A_271] : memref<16384x50xi32, #tpu.memory_space<hbm>> -> memref<4x50xi32, #tpu.memory_space<hbm>>
        %dma_wait3A_273 = arith.constant 0 : i32
        %dma_wait3A_274 = tpu.memref_slice %arg3[%add3A_270, %dma_wait3A_273] : memref<16384x50xi32, #tpu.memory_space<hbm>> -> memref<4x50xi32, #tpu.memory_space<hbm>>
        tpu.wait_dma2 semaphore(%arg11 : memref<!tpu.dma_semaphore, #tpu.memory_space<semaphore_mem>>) src(%dma_wait3A_274 : memref<4x50xi32, #tpu.memory_space<hbm>>) dst(%arg6 : memref<4x50xi32, #tpu.memory_space<vmem>>)
        %dma_start3A_275 = arith.constant 0 : i32
        %dma_start3A_276 = arith.constant 0 : i32
        %dma_start3A_277 = arith.constant 0 : i32
        %dma_start3A_278 = arith.constant 0 : i32
        %dma_start3A_279 = tpu.memref_slice %arg8[%dma_start3A_276, %dma_start3A_277, %dma_start3A_278] : memref<4x50x128xf32, #tpu.memory_space<vmem>> -> memref<1x50x128xf32, #tpu.memory_space<vmem>>
        %dma_start3A_280 = tpu.memref_squeeze %dma_start3A_279 : memref<1x50x128xf32, #tpu.memory_space<vmem>> -> memref<50x128xf32, #tpu.memory_space<vmem>>
        %dma_start3A_281 = arith.constant 0 : i32
        %dma_start3A_282 = tpu.memref_slice %arg6[%dma_start3A_275, %dma_start3A_281] : memref<4x50xi32, #tpu.memory_space<vmem>> -> memref<1x50xi32, #tpu.memory_space<vmem>>
        %dma_start3A_283 = tpu.memref_squeeze %dma_start3A_282 : memref<1x50xi32, #tpu.memory_space<vmem>> -> memref<50xi32, #tpu.memory_space<vmem>>
        %dma_start3A_284 = arith.constant 0 : i32
        %dma_start3A_285 = arith.constant 0 : i32
        %dma_start3A_286 = tpu.memref_slice %arg2[%dma_start3A_284, %dma_start3A_285] : memref<1000000x128xf32, #tpu.memory_space<hbm>> -> memref<1000000x128xf32, #tpu.memory_space<hbm>>
        tpu.enqueue_indirect_dma source(%dma_start3A_286 : memref<1000000x128xf32, #tpu.memory_space<hbm>>) target(%dma_start3A_280 : memref<50x128xf32, #tpu.memory_space<vmem>>) offsets(%dma_start3A_283 : memref<50xi32, #tpu.memory_space<vmem>>) semaphore(%arg13 : memref<!tpu.dma_semaphore, #tpu.memory_space<semaphore_mem>>)
        %dma_start3A_287 = arith.constant 1 : i32
        %dma_start3A_288 = arith.constant 1 : i32
        %dma_start3A_289 = arith.constant 0 : i32
        %dma_start3A_290 = arith.constant 0 : i32
        %dma_start3A_291 = tpu.memref_slice %arg8[%dma_start3A_288, %dma_start3A_289, %dma_start3A_290] : memref<4x50x128xf32, #tpu.memory_space<vmem>> -> memref<1x50x128xf32, #tpu.memory_space<vmem>>
        %dma_start3A_292 = tpu.memref_squeeze %dma_start3A_291 : memref<1x50x128xf32, #tpu.memory_space<vmem>> -> memref<50x128xf32, #tpu.memory_space<vmem>>
        %dma_start3A_293 = arith.constant 0 : i32
        %dma_start3A_294 = tpu.memref_slice %arg6[%dma_start3A_287, %dma_start3A_293] : memref<4x50xi32, #tpu.memory_space<vmem>> -> memref<1x50xi32, #tpu.memory_space<vmem>>
        %dma_start3A_295 = tpu.memref_squeeze %dma_start3A_294 : memref<1x50xi32, #tpu.memory_space<vmem>> -> memref<50xi32, #tpu.memory_space<vmem>>
        %dma_start3A_296 = arith.constant 0 : i32
        %dma_start3A_297 = arith.constant 0 : i32
        %dma_start3A_298 = tpu.memref_slice %arg2[%dma_start3A_296, %dma_start3A_297] : memref<1000000x128xf32, #tpu.memory_space<hbm>> -> memref<1000000x128xf32, #tpu.memory_space<hbm>>
        tpu.enqueue_indirect_dma source(%dma_start3A_298 : memref<1000000x128xf32, #tpu.memory_space<hbm>>) target(%dma_start3A_292 : memref<50x128xf32, #tpu.memory_space<vmem>>) offsets(%dma_start3A_295 : memref<50xi32, #tpu.memory_space<vmem>>) semaphore(%arg13 : memref<!tpu.dma_semaphore, #tpu.memory_space<semaphore_mem>>)
        %dma_start3A_299 = arith.constant 2 : i32
        %dma_start3A_300 = arith.constant 2 : i32
        %dma_start3A_301 = arith.constant 0 : i32
        %dma_start3A_302 = arith.constant 0 : i32
        %dma_start3A_303 = tpu.memref_slice %arg8[%dma_start3A_300, %dma_start3A_301, %dma_start3A_302] : memref<4x50x128xf32, #tpu.memory_space<vmem>> -> memref<1x50x128xf32, #tpu.memory_space<vmem>>
        %dma_start3A_304 = tpu.memref_squeeze %dma_start3A_303 : memref<1x50x128xf32, #tpu.memory_space<vmem>> -> memref<50x128xf32, #tpu.memory_space<vmem>>
        %dma_start3A_305 = arith.constant 0 : i32
        %dma_start3A_306 = tpu.memref_slice %arg6[%dma_start3A_299, %dma_start3A_305] : memref<4x50xi32, #tpu.memory_space<vmem>> -> memref<1x50xi32, #tpu.memory_space<vmem>>
        %dma_start3A_307 = tpu.memref_squeeze %dma_start3A_306 : memref<1x50xi32, #tpu.memory_space<vmem>> -> memref<50xi32, #tpu.memory_space<vmem>>
        %dma_start3A_308 = arith.constant 0 : i32
        %dma_start3A_309 = arith.constant 0 : i32
        %dma_start3A_310 = tpu.memref_slice %arg2[%dma_start3A_308, %dma_start3A_309] : memref<1000000x128xf32, #tpu.memory_space<hbm>> -> memref<1000000x128xf32, #tpu.memory_space<hbm>>
        tpu.enqueue_indirect_dma source(%dma_start3A_310 : memref<1000000x128xf32, #tpu.memory_space<hbm>>) target(%dma_start3A_304 : memref<50x128xf32, #tpu.memory_space<vmem>>) offsets(%dma_start3A_307 : memref<50xi32, #tpu.memory_space<vmem>>) semaphore(%arg13 : memref<!tpu.dma_semaphore, #tpu.memory_space<semaphore_mem>>)
        %dma_start3A_311 = arith.constant 3 : i32
        %dma_start3A_312 = arith.constant 3 : i32
        %dma_start3A_313 = arith.constant 0 : i32
        %dma_start3A_314 = arith.constant 0 : i32
        %dma_start3A_315 = tpu.memref_slice %arg8[%dma_start3A_312, %dma_start3A_313, %dma_start3A_314] : memref<4x50x128xf32, #tpu.memory_space<vmem>> -> memref<1x50x128xf32, #tpu.memory_space<vmem>>
        %dma_start3A_316 = tpu.memref_squeeze %dma_start3A_315 : memref<1x50x128xf32, #tpu.memory_space<vmem>> -> memref<50x128xf32, #tpu.memory_space<vmem>>
        %dma_start3A_317 = arith.constant 0 : i32
        %dma_start3A_318 = tpu.memref_slice %arg6[%dma_start3A_311, %dma_start3A_317] : memref<4x50xi32, #tpu.memory_space<vmem>> -> memref<1x50xi32, #tpu.memory_space<vmem>>
        %dma_start3A_319 = tpu.memref_squeeze %dma_start3A_318 : memref<1x50xi32, #tpu.memory_space<vmem>> -> memref<50xi32, #tpu.memory_space<vmem>>
        %dma_start3A_320 = arith.constant 0 : i32
        %dma_start3A_321 = arith.constant 0 : i32
        %dma_start3A_322 = tpu.memref_slice %arg2[%dma_start3A_320, %dma_start3A_321] : memref<1000000x128xf32, #tpu.memory_space<hbm>> -> memref<1000000x128xf32, #tpu.memory_space<hbm>>
        tpu.enqueue_indirect_dma source(%dma_start3A_322 : memref<1000000x128xf32, #tpu.memory_space<hbm>>) target(%dma_start3A_316 : memref<50x128xf32, #tpu.memory_space<vmem>>) offsets(%dma_start3A_319 : memref<50xi32, #tpu.memory_space<vmem>>) semaphore(%arg13 : memref<!tpu.dma_semaphore, #tpu.memory_space<semaphore_mem>>)
      } else {
      }
      %dma_wait3A_90 = arith.constant 0 : i32
      %dma_wait3A_91 = arith.constant 0 : i32
      %dma_wait3A_92 = arith.constant 0 : i32
      %dma_wait3A_93 = arith.constant 0 : i32
      %dma_wait3A_94 = tpu.memref_slice %arg7[%dma_wait3A_91, %dma_wait3A_92, %dma_wait3A_93] : memref<4x50x128xf32, #tpu.memory_space<vmem>> -> memref<1x50x128xf32, #tpu.memory_space<vmem>>
      %dma_wait3A_95 = tpu.memref_squeeze %dma_wait3A_94 : memref<1x50x128xf32, #tpu.memory_space<vmem>> -> memref<50x128xf32, #tpu.memory_space<vmem>>
      %dma_wait3A_96 = arith.constant 0 : i32
      %dma_wait3A_97 = tpu.memref_slice %arg5[%dma_wait3A_90, %dma_wait3A_96] : memref<4x50xi32, #tpu.memory_space<vmem>> -> memref<1x50xi32, #tpu.memory_space<vmem>>
      %dma_wait3A_98 = tpu.memref_squeeze %dma_wait3A_97 : memref<1x50xi32, #tpu.memory_space<vmem>> -> memref<50xi32, #tpu.memory_space<vmem>>
      %dma_wait3A_99 = arith.constant 0 : i32
      %dma_wait3A_100 = arith.constant 0 : i32
      %dma_wait3A_101 = tpu.memref_slice %arg2[%dma_wait3A_99, %dma_wait3A_100] : memref<1000000x128xf32, #tpu.memory_space<hbm>> -> memref<1000000x128xf32, #tpu.memory_space<hbm>>
      tpu.wait_indirect_dma semaphore(%arg12 : memref<!tpu.dma_semaphore, #tpu.memory_space<semaphore_mem>>) src(%dma_wait3A_101 : memref<1000000x128xf32, #tpu.memory_space<hbm>>) dst(%dma_wait3A_95 : memref<50x128xf32, #tpu.memory_space<vmem>>)
      %dma_wait3A_102 = arith.constant 1 : i32
      %dma_wait3A_103 = arith.constant 1 : i32
      %dma_wait3A_104 = arith.constant 0 : i32
      %dma_wait3A_105 = arith.constant 0 : i32
      %dma_wait3A_106 = tpu.memref_slice %arg7[%dma_wait3A_103, %dma_wait3A_104, %dma_wait3A_105] : memref<4x50x128xf32, #tpu.memory_space<vmem>> -> memref<1x50x128xf32, #tpu.memory_space<vmem>>
      %dma_wait3A_107 = tpu.memref_squeeze %dma_wait3A_106 : memref<1x50x128xf32, #tpu.memory_space<vmem>> -> memref<50x128xf32, #tpu.memory_space<vmem>>
      %dma_wait3A_108 = arith.constant 0 : i32
      %dma_wait3A_109 = tpu.memref_slice %arg5[%dma_wait3A_102, %dma_wait3A_108] : memref<4x50xi32, #tpu.memory_space<vmem>> -> memref<1x50xi32, #tpu.memory_space<vmem>>
      %dma_wait3A_110 = tpu.memref_squeeze %dma_wait3A_109 : memref<1x50xi32, #tpu.memory_space<vmem>> -> memref<50xi32, #tpu.memory_space<vmem>>
      %dma_wait3A_111 = arith.constant 0 : i32
      %dma_wait3A_112 = arith.constant 0 : i32
      %dma_wait3A_113 = tpu.memref_slice %arg2[%dma_wait3A_111, %dma_wait3A_112] : memref<1000000x128xf32, #tpu.memory_space<hbm>> -> memref<1000000x128xf32, #tpu.memory_space<hbm>>
      tpu.wait_indirect_dma semaphore(%arg12 : memref<!tpu.dma_semaphore, #tpu.memory_space<semaphore_mem>>) src(%dma_wait3A_113 : memref<1000000x128xf32, #tpu.memory_space<hbm>>) dst(%dma_wait3A_107 : memref<50x128xf32, #tpu.memory_space<vmem>>)
      %dma_wait3A_114 = arith.constant 2 : i32
      %dma_wait3A_115 = arith.constant 2 : i32
      %dma_wait3A_116 = arith.constant 0 : i32
      %dma_wait3A_117 = arith.constant 0 : i32
      %dma_wait3A_118 = tpu.memref_slice %arg7[%dma_wait3A_115, %dma_wait3A_116, %dma_wait3A_117] : memref<4x50x128xf32, #tpu.memory_space<vmem>> -> memref<1x50x128xf32, #tpu.memory_space<vmem>>
      %dma_wait3A_119 = tpu.memref_squeeze %dma_wait3A_118 : memref<1x50x128xf32, #tpu.memory_space<vmem>> -> memref<50x128xf32, #tpu.memory_space<vmem>>
      %dma_wait3A_120 = arith.constant 0 : i32
      %dma_wait3A_121 = tpu.memref_slice %arg5[%dma_wait3A_114, %dma_wait3A_120] : memref<4x50xi32, #tpu.memory_space<vmem>> -> memref<1x50xi32, #tpu.memory_space<vmem>>
      %dma_wait3A_122 = tpu.memref_squeeze %dma_wait3A_121 : memref<1x50xi32, #tpu.memory_space<vmem>> -> memref<50xi32, #tpu.memory_space<vmem>>
      %dma_wait3A_123 = arith.constant 0 : i32
      %dma_wait3A_124 = arith.constant 0 : i32
      %dma_wait3A_125 = tpu.memref_slice %arg2[%dma_wait3A_123, %dma_wait3A_124] : memref<1000000x128xf32, #tpu.memory_space<hbm>> -> memref<1000000x128xf32, #tpu.memory_space<hbm>>
      tpu.wait_indirect_dma semaphore(%arg12 : memref<!tpu.dma_semaphore, #tpu.memory_space<semaphore_mem>>) src(%dma_wait3A_125 : memref<1000000x128xf32, #tpu.memory_space<hbm>>) dst(%dma_wait3A_119 : memref<50x128xf32, #tpu.memory_space<vmem>>)
      %dma_wait3A_126 = arith.constant 3 : i32
      %dma_wait3A_127 = arith.constant 3 : i32
      %dma_wait3A_128 = arith.constant 0 : i32
      %dma_wait3A_129 = arith.constant 0 : i32
      %dma_wait3A_130 = tpu.memref_slice %arg7[%dma_wait3A_127, %dma_wait3A_128, %dma_wait3A_129] : memref<4x50x128xf32, #tpu.memory_space<vmem>> -> memref<1x50x128xf32, #tpu.memory_space<vmem>>
      %dma_wait3A_131 = tpu.memref_squeeze %dma_wait3A_130 : memref<1x50x128xf32, #tpu.memory_space<vmem>> -> memref<50x128xf32, #tpu.memory_space<vmem>>
      %dma_wait3A_132 = arith.constant 0 : i32
      %dma_wait3A_133 = tpu.memref_slice %arg5[%dma_wait3A_126, %dma_wait3A_132] : memref<4x50xi32, #tpu.memory_space<vmem>> -> memref<1x50xi32, #tpu.memory_space<vmem>>
      %dma_wait3A_134 = tpu.memref_squeeze %dma_wait3A_133 : memref<1x50xi32, #tpu.memory_space<vmem>> -> memref<50xi32, #tpu.memory_space<vmem>>
      %dma_wait3A_135 = arith.constant 0 : i32
      %dma_wait3A_136 = arith.constant 0 : i32
      %dma_wait3A_137 = tpu.memref_slice %arg2[%dma_wait3A_135, %dma_wait3A_136] : memref<1000000x128xf32, #tpu.memory_space<hbm>> -> memref<1000000x128xf32, #tpu.memory_space<hbm>>
      tpu.wait_indirect_dma semaphore(%arg12 : memref<!tpu.dma_semaphore, #tpu.memory_space<semaphore_mem>>) src(%dma_wait3A_137 : memref<1000000x128xf32, #tpu.memory_space<hbm>>) dst(%dma_wait3A_131 : memref<50x128xf32, #tpu.memory_space<vmem>>)
      %add3A_138 = arith.constant 2 : i32
      %add3A_139 = arith.addi %add3A_85, %add3A_138 : i32
      %lt3A_140 = arith.constant 128 : i32
      %lt3A_141 = arith.cmpi slt, %add3A_139, %lt3A_140 : i32
      %convert_element_type3A_142 = arith.extui %lt3A_141 : i1 to i32
      %cond3A_143 = arith.constant 0 : i32
      %cond3A_144 = arith.cmpi ne, %convert_element_type3A_142, %cond3A_143 : i32
      scf.if %cond3A_144 {
        %add3A_266 = arith.constant 2 : i32
        %add3A_267 = arith.addi %add3A_85, %add3A_266 : i32
        %mul3A_268 = arith.constant 4 : i32
        %mul3A_269 = arith.muli %add3A_267, %mul3A_268 : i32
        %add3A_270 = arith.addi %mul3A_2, %mul3A_269 : i32
        %dma_start3A_271 = arith.constant 0 : i32
        %dma_start3A_272 = tpu.memref_slice %arg3[%add3A_270, %dma_start3A_271] : memref<16384x50xi32, #tpu.memory_space<hbm>> -> memref<4x50xi32, #tpu.memory_space<hbm>>
        %dma_start3A_273 = arith.constant 0 : i32
        %dma_start3A_274 = tpu.memref_slice %arg3[%add3A_270, %dma_start3A_273] : memref<16384x50xi32, #tpu.memory_space<hbm>> -> memref<4x50xi32, #tpu.memory_space<hbm>>
        tpu.enqueue_dma source(%dma_start3A_274 : memref<4x50xi32, #tpu.memory_space<hbm>>) target(%arg5 : memref<4x50xi32, #tpu.memory_space<vmem>>) target_semaphore(%arg10 : memref<!tpu.dma_semaphore, #tpu.memory_space<semaphore_mem>>)
      } else {
      }
      %gt3A = arith.constant 0 : i32
      %gt3A_145 = arith.cmpi sgt, %add3A_81, %gt3A : i32
      %convert_element_type3A_146 = arith.extui %gt3A_145 : i1 to i32
      %cond3A_147 = arith.constant 0 : i32
      %cond3A_148 = arith.cmpi ne, %convert_element_type3A_146, %cond3A_147 : i32
      scf.if %cond3A_148 {
        %dma_wait3A_266 = arith.constant 0 : i32
        %dma_wait3A_267 = arith.constant 0 : i32
        %dma_wait3A_268 = tpu.memref_slice %arg4[%mul3A_2, %dma_wait3A_266, %dma_wait3A_267] : memref<16384x50x64xf32, #tpu.memory_space<hbm>> -> memref<8x50x64xf32, #tpu.memory_space<hbm>>
        %dma_wait3A_269 = arith.constant 0 : i32
        %dma_wait3A_270 = arith.constant 0 : i32
        %dma_wait3A_271 = tpu.memref_slice %arg4[%mul3A_2, %dma_wait3A_269, %dma_wait3A_270] : memref<16384x50x64xf32, #tpu.memory_space<hbm>> -> memref<8x50x64xf32, #tpu.memory_space<hbm>>
        tpu.wait_dma2 semaphore(%arg14 : memref<!tpu.dma_semaphore, #tpu.memory_space<semaphore_mem>>) src(%arg9 : memref<8x50x64xf32, #tpu.memory_space<vmem>>) dst(%dma_wait3A_271 : memref<8x50x64xf32, #tpu.memory_space<hbm>>)
      } else {
      }
      %scan3A_149 = arith.constant 0 : i32
      %scan3A_150 = arith.constant 50 : i32
      %scan3A_151 = arith.addi %scan3A_149, %scan3A_150 : i32
      %scan3A_152 = arith.constant 1 : i32
      scf.for %scan3A_266 = %scan3A_149 to %scan3A_151 step %scan3A_152  : i32 {
        %mul3A_267 = arith.constant 1 : i32
        %mul3A_268 = arith.muli %scan3A_266, %mul3A_267 : i32
        %add3A_269 = arith.constant 0 : i32
        %add3A_270 = arith.addi %add3A_269, %mul3A_268 : i32
        %get3A = arith.constant 0 : i32
        %get3A_271 = arith.index_cast %get3A : i32 to index
        %get3A_272 = arith.index_cast %add3A_270 : i32 to index
        %get3A_273 = arith.constant 0 : index
        %get3A_274 = tpu.vector_load %arg7[%get3A_271, %get3A_272, %get3A_273] {strides = array<i32>} : memref<4x50x128xf32, #tpu.memory_space<vmem>>, vector<1x1x16xf32>,
        %get3A_275 = vector.shape_cast %get3A_274 : vector<1x1x16xf32> to vector<16xf32>
        %swap3A = arith.constant 0 : i32
        %swap3A_276 = arith.index_cast %swap3A : i32 to index
        %swap3A_277 = arith.index_cast %add3A_270 : i32 to index
        %swap3A_278 = arith.constant 0 : index
        %swap3A_279 = tpu.vector_load %arg9[%swap3A_276, %swap3A_277, %swap3A_278] {strides = array<i32>} : memref<8x50x64xf32, #tpu.memory_space<vmem>>, vector<1x1x16xf32>,
        %swap3A_280 = vector.shape_cast %swap3A_279 : vector<1x1x16xf32> to vector<16xf32>
        %swap3A_281 = vector.shape_cast %get3A_275 : vector<16xf32> to vector<1x1x16xf32>
        tpu.vector_store %arg9[%swap3A_276, %swap3A_277, %swap3A_278], %swap3A_281 {strides = array<i32>} : memref<8x50x64xf32, #tpu.memory_space<vmem>>, vector<1x1x16xf32>,
        %get3A_282 = arith.constant 0 : i32
        %get3A_283 = arith.index_cast %get3A_282 : i32 to index
        %get3A_284 = arith.index_cast %add3A_270 : i32 to index
        %get3A_285 = arith.constant 16 : index
        %get3A_286 = tpu.vector_load %arg7[%get3A_283, %get3A_284, %get3A_285] {strides = array<i32>} : memref<4x50x128xf32, #tpu.memory_space<vmem>>, vector<1x1x16xf32>,
        %get3A_287 = vector.shape_cast %get3A_286 : vector<1x1x16xf32> to vector<16xf32>
        %swap3A_288 = arith.constant 0 : i32
        %swap3A_289 = arith.index_cast %swap3A_288 : i32 to index
        %swap3A_290 = arith.index_cast %add3A_270 : i32 to index
        %swap3A_291 = arith.constant 16 : index
        %swap3A_292 = tpu.vector_load %arg9[%swap3A_289, %swap3A_290, %swap3A_291] {strides = array<i32>} : memref<8x50x64xf32, #tpu.memory_space<vmem>>, vector<1x1x16xf32>,
        %swap3A_293 = vector.shape_cast %swap3A_292 : vector<1x1x16xf32> to vector<16xf32>
        %swap3A_294 = vector.shape_cast %get3A_287 : vector<16xf32> to vector<1x1x16xf32>
        tpu.vector_store %arg9[%swap3A_289, %swap3A_290, %swap3A_291], %swap3A_294 {strides = array<i32>} : memref<8x50x64xf32, #tpu.memory_space<vmem>>, vector<1x1x16xf32>,
        %get3A_295 = arith.constant 0 : i32
        %get3A_296 = arith.index_cast %get3A_295 : i32 to index
        %get3A_297 = arith.index_cast %add3A_270 : i32 to index
        %get3A_298 = arith.constant 32 : index
        %get3A_299 = tpu.vector_load %arg7[%get3A_296, %get3A_297, %get3A_298] {strides = array<i32>} : memref<4x50x128xf32, #tpu.memory_space<vmem>>, vector<1x1x16xf32>,
        %get3A_300 = vector.shape_cast %get3A_299 : vector<1x1x16xf32> to vector<16xf32>
        %swap3A_301 = arith.constant 0 : i32
        %swap3A_302 = arith.index_cast %swap3A_301 : i32 to index
        %swap3A_303 = arith.index_cast %add3A_270 : i32 to index
        %swap3A_304 = arith.constant 32 : index
        %swap3A_305 = tpu.vector_load %arg9[%swap3A_302, %swap3A_303, %swap3A_304] {strides = array<i32>} : memref<8x50x64xf32, #tpu.memory_space<vmem>>, vector<1x1x16xf32>,
        %swap3A_306 = vector.shape_cast %swap3A_305 : vector<1x1x16xf32> to vector<16xf32>
        %swap3A_307 = vector.shape_cast %get3A_300 : vector<16xf32> to vector<1x1x16xf32>
        tpu.vector_store %arg9[%swap3A_302, %swap3A_303, %swap3A_304], %swap3A_307 {strides = array<i32>} : memref<8x50x64xf32, #tpu.memory_space<vmem>>, vector<1x1x16xf32>,
        %get3A_308 = arith.constant 0 : i32
        %get3A_309 = arith.index_cast %get3A_308 : i32 to index
        %get3A_310 = arith.index_cast %add3A_270 : i32 to index
        %get3A_311 = arith.constant 48 : index
        %get3A_312 = tpu.vector_load %arg7[%get3A_309, %get3A_310, %get3A_311] {strides = array<i32>} : memref<4x50x128xf32, #tpu.memory_space<vmem>>, vector<1x1x16xf32>,
        %get3A_313 = vector.shape_cast %get3A_312 : vector<1x1x16xf32> to vector<16xf32>
        %swap3A_314 = arith.constant 0 : i32
        %swap3A_315 = arith.index_cast %swap3A_314 : i32 to index
        %swap3A_316 = arith.index_cast %add3A_270 : i32 to index
        %swap3A_317 = arith.constant 48 : index
        %swap3A_318 = tpu.vector_load %arg9[%swap3A_315, %swap3A_316, %swap3A_317] {strides = array<i32>} : memref<8x50x64xf32, #tpu.memory_space<vmem>>, vector<1x1x16xf32>,
        %swap3A_319 = vector.shape_cast %swap3A_318 : vector<1x1x16xf32> to vector<16xf32>
        %swap3A_320 = vector.shape_cast %get3A_313 : vector<16xf32> to vector<1x1x16xf32>
        tpu.vector_store %arg9[%swap3A_315, %swap3A_316, %swap3A_317], %swap3A_320 {strides = array<i32>} : memref<8x50x64xf32, #tpu.memory_space<vmem>>, vector<1x1x16xf32>,
      }
      %scan3A_153 = arith.constant 50 : i32
      %scan3A_154 = arith.constant 0 : i32
      %scan3A_155 = arith.constant 50 : i32
      %scan3A_156 = arith.addi %scan3A_154, %scan3A_155 : i32
      %scan3A_157 = arith.constant 1 : i32
      scf.for %scan3A_266 = %scan3A_154 to %scan3A_156 step %scan3A_157  : i32 {
        %mul3A_267 = arith.constant 1 : i32
        %mul3A_268 = arith.muli %scan3A_266, %mul3A_267 : i32
        %add3A_269 = arith.constant 0 : i32
        %add3A_270 = arith.addi %add3A_269, %mul3A_268 : i32
        %get3A = arith.constant 1 : i32
        %get3A_271 = arith.index_cast %get3A : i32 to index
        %get3A_272 = arith.index_cast %add3A_270 : i32 to index
        %get3A_273 = arith.constant 0 : index
        %get3A_274 = tpu.vector_load %arg7[%get3A_271, %get3A_272, %get3A_273] {strides = array<i32>} : memref<4x50x128xf32, #tpu.memory_space<vmem>>, vector<1x1x16xf32>,
        %get3A_275 = vector.shape_cast %get3A_274 : vector<1x1x16xf32> to vector<16xf32>
        %swap3A = arith.constant 1 : i32
        %swap3A_276 = arith.index_cast %swap3A : i32 to index
        %swap3A_277 = arith.index_cast %add3A_270 : i32 to index
        %swap3A_278 = arith.constant 0 : index
        %swap3A_279 = tpu.vector_load %arg9[%swap3A_276, %swap3A_277, %swap3A_278] {strides = array<i32>} : memref<8x50x64xf32, #tpu.memory_space<vmem>>, vector<1x1x16xf32>,
        %swap3A_280 = vector.shape_cast %swap3A_279 : vector<1x1x16xf32> to vector<16xf32>
        %swap3A_281 = vector.shape_cast %get3A_275 : vector<16xf32> to vector<1x1x16xf32>
        tpu.vector_store %arg9[%swap3A_276, %swap3A_277, %swap3A_278], %swap3A_281 {strides = array<i32>} : memref<8x50x64xf32, #tpu.memory_space<vmem>>, vector<1x1x16xf32>,
        %get3A_282 = arith.constant 1 : i32
        %get3A_283 = arith.index_cast %get3A_282 : i32 to index
        %get3A_284 = arith.index_cast %add3A_270 : i32 to index
        %get3A_285 = arith.constant 16 : index
        %get3A_286 = tpu.vector_load %arg7[%get3A_283, %get3A_284, %get3A_285] {strides = array<i32>} : memref<4x50x128xf32, #tpu.memory_space<vmem>>, vector<1x1x16xf32>,
        %get3A_287 = vector.shape_cast %get3A_286 : vector<1x1x16xf32> to vector<16xf32>
        %swap3A_288 = arith.constant 1 : i32
        %swap3A_289 = arith.index_cast %swap3A_288 : i32 to index
        %swap3A_290 = arith.index_cast %add3A_270 : i32 to index
        %swap3A_291 = arith.constant 16 : index
        %swap3A_292 = tpu.vector_load %arg9[%swap3A_289, %swap3A_290, %swap3A_291] {strides = array<i32>} : memref<8x50x64xf32, #tpu.memory_space<vmem>>, vector<1x1x16xf32>,
        %swap3A_293 = vector.shape_cast %swap3A_292 : vector<1x1x16xf32> to vector<16xf32>
        %swap3A_294 = vector.shape_cast %get3A_287 : vector<16xf32> to vector<1x1x16xf32>
        tpu.vector_store %arg9[%swap3A_289, %swap3A_290, %swap3A_291], %swap3A_294 {strides = array<i32>} : memref<8x50x64xf32, #tpu.memory_space<vmem>>, vector<1x1x16xf32>,
        %get3A_295 = arith.constant 1 : i32
        %get3A_296 = arith.index_cast %get3A_295 : i32 to index
        %get3A_297 = arith.index_cast %add3A_270 : i32 to index
        %get3A_298 = arith.constant 32 : index
        %get3A_299 = tpu.vector_load %arg7[%get3A_296, %get3A_297, %get3A_298] {strides = array<i32>} : memref<4x50x128xf32, #tpu.memory_space<vmem>>, vector<1x1x16xf32>,
        %get3A_300 = vector.shape_cast %get3A_299 : vector<1x1x16xf32> to vector<16xf32>
        %swap3A_301 = arith.constant 1 : i32
        %swap3A_302 = arith.index_cast %swap3A_301 : i32 to index
        %swap3A_303 = arith.index_cast %add3A_270 : i32 to index
        %swap3A_304 = arith.constant 32 : index
        %swap3A_305 = tpu.vector_load %arg9[%swap3A_302, %swap3A_303, %swap3A_304] {strides = array<i32>} : memref<8x50x64xf32, #tpu.memory_space<vmem>>, vector<1x1x16xf32>,
        %swap3A_306 = vector.shape_cast %swap3A_305 : vector<1x1x16xf32> to vector<16xf32>
        %swap3A_307 = vector.shape_cast %get3A_300 : vector<16xf32> to vector<1x1x16xf32>
        tpu.vector_store %arg9[%swap3A_302, %swap3A_303, %swap3A_304], %swap3A_307 {strides = array<i32>} : memref<8x50x64xf32, #tpu.memory_space<vmem>>, vector<1x1x16xf32>,
        %get3A_308 = arith.constant 1 : i32
        %get3A_309 = arith.index_cast %get3A_308 : i32 to index
        %get3A_310 = arith.index_cast %add3A_270 : i32 to index
        %get3A_311 = arith.constant 48 : index
        %get3A_312 = tpu.vector_load %arg7[%get3A_309, %get3A_310, %get3A_311] {strides = array<i32>} : memref<4x50x128xf32, #tpu.memory_space<vmem>>, vector<1x1x16xf32>,
        %get3A_313 = vector.shape_cast %get3A_312 : vector<1x1x16xf32> to vector<16xf32>
        %swap3A_314 = arith.constant 1 : i32
        %swap3A_315 = arith.index_cast %swap3A_314 : i32 to index
        %swap3A_316 = arith.index_cast %add3A_270 : i32 to index
        %swap3A_317 = arith.constant 48 : index
        %swap3A_318 = tpu.vector_load %arg9[%swap3A_315, %swap3A_316, %swap3A_317] {strides = array<i32>} : memref<8x50x64xf32, #tpu.memory_space<vmem>>, vector<1x1x16xf32>,
        %swap3A_319 = vector.shape_cast %swap3A_318 : vector<1x1x16xf32> to vector<16xf32>
        %swap3A_320 = vector.shape_cast %get3A_313 : vector<16xf32> to vector<1x1x16xf32>
        tpu.vector_store %arg9[%swap3A_315, %swap3A_316, %swap3A_317], %swap3A_320 {strides = array<i32>} : memref<8x50x64xf32, #tpu.memory_space<vmem>>, vector<1x1x16xf32>,
      }
      %scan3A_158 = arith.constant 50 : i32
      %scan3A_159 = arith.constant 0 : i32
      %scan3A_160 = arith.constant 50 : i32
      %scan3A_161 = arith.addi %scan3A_159, %scan3A_160 : i32
      %scan3A_162 = arith.constant 1 : i32
      scf.for %scan3A_266 = %scan3A_159 to %scan3A_161 step %scan3A_162  : i32 {
        %mul3A_267 = arith.constant 1 : i32
        %mul3A_268 = arith.muli %scan3A_266, %mul3A_267 : i32
        %add3A_269 = arith.constant 0 : i32
        %add3A_270 = arith.addi %add3A_269, %mul3A_268 : i32
        %get3A = arith.constant 2 : i32
        %get3A_271 = arith.index_cast %get3A : i32 to index
        %get3A_272 = arith.index_cast %add3A_270 : i32 to index
        %get3A_273 = arith.constant 0 : index
        %get3A_274 = tpu.vector_load %arg7[%get3A_271, %get3A_272, %get3A_273] {strides = array<i32>} : memref<4x50x128xf32, #tpu.memory_space<vmem>>, vector<1x1x16xf32>,
        %get3A_275 = vector.shape_cast %get3A_274 : vector<1x1x16xf32> to vector<16xf32>
        %swap3A = arith.constant 2 : i32
        %swap3A_276 = arith.index_cast %swap3A : i32 to index
        %swap3A_277 = arith.index_cast %add3A_270 : i32 to index
        %swap3A_278 = arith.constant 0 : index
        %swap3A_279 = tpu.vector_load %arg9[%swap3A_276, %swap3A_277, %swap3A_278] {strides = array<i32>} : memref<8x50x64xf32, #tpu.memory_space<vmem>>, vector<1x1x16xf32>,
        %swap3A_280 = vector.shape_cast %swap3A_279 : vector<1x1x16xf32> to vector<16xf32>
        %swap3A_281 = vector.shape_cast %get3A_275 : vector<16xf32> to vector<1x1x16xf32>
        tpu.vector_store %arg9[%swap3A_276, %swap3A_277, %swap3A_278], %swap3A_281 {strides = array<i32>} : memref<8x50x64xf32, #tpu.memory_space<vmem>>, vector<1x1x16xf32>,
        %get3A_282 = arith.constant 2 : i32
        %get3A_283 = arith.index_cast %get3A_282 : i32 to index
        %get3A_284 = arith.index_cast %add3A_270 : i32 to index
        %get3A_285 = arith.constant 16 : index
        %get3A_286 = tpu.vector_load %arg7[%get3A_283, %get3A_284, %get3A_285] {strides = array<i32>} : memref<4x50x128xf32, #tpu.memory_space<vmem>>, vector<1x1x16xf32>,
        %get3A_287 = vector.shape_cast %get3A_286 : vector<1x1x16xf32> to vector<16xf32>
        %swap3A_288 = arith.constant 2 : i32
        %swap3A_289 = arith.index_cast %swap3A_288 : i32 to index
        %swap3A_290 = arith.index_cast %add3A_270 : i32 to index
        %swap3A_291 = arith.constant 16 : index
        %swap3A_292 = tpu.vector_load %arg9[%swap3A_289, %swap3A_290, %swap3A_291] {strides = array<i32>} : memref<8x50x64xf32, #tpu.memory_space<vmem>>, vector<1x1x16xf32>,
        %swap3A_293 = vector.shape_cast %swap3A_292 : vector<1x1x16xf32> to vector<16xf32>
        %swap3A_294 = vector.shape_cast %get3A_287 : vector<16xf32> to vector<1x1x16xf32>
        tpu.vector_store %arg9[%swap3A_289, %swap3A_290, %swap3A_291], %swap3A_294 {strides = array<i32>} : memref<8x50x64xf32, #tpu.memory_space<vmem>>, vector<1x1x16xf32>,
        %get3A_295 = arith.constant 2 : i32
        %get3A_296 = arith.index_cast %get3A_295 : i32 to index
        %get3A_297 = arith.index_cast %add3A_270 : i32 to index
        %get3A_298 = arith.constant 32 : index
        %get3A_299 = tpu.vector_load %arg7[%get3A_296, %get3A_297, %get3A_298] {strides = array<i32>} : memref<4x50x128xf32, #tpu.memory_space<vmem>>, vector<1x1x16xf32>,
        %get3A_300 = vector.shape_cast %get3A_299 : vector<1x1x16xf32> to vector<16xf32>
        %swap3A_301 = arith.constant 2 : i32
        %swap3A_302 = arith.index_cast %swap3A_301 : i32 to index
        %swap3A_303 = arith.index_cast %add3A_270 : i32 to index
        %swap3A_304 = arith.constant 32 : index
        %swap3A_305 = tpu.vector_load %arg9[%swap3A_302, %swap3A_303, %swap3A_304] {strides = array<i32>} : memref<8x50x64xf32, #tpu.memory_space<vmem>>, vector<1x1x16xf32>,
        %swap3A_306 = vector.shape_cast %swap3A_305 : vector<1x1x16xf32> to vector<16xf32>
        %swap3A_307 = vector.shape_cast %get3A_300 : vector<16xf32> to vector<1x1x16xf32>
        tpu.vector_store %arg9[%swap3A_302, %swap3A_303, %swap3A_304], %swap3A_307 {strides = array<i32>} : memref<8x50x64xf32, #tpu.memory_space<vmem>>, vector<1x1x16xf32>,
        %get3A_308 = arith.constant 2 : i32
        %get3A_309 = arith.index_cast %get3A_308 : i32 to index
        %get3A_310 = arith.index_cast %add3A_270 : i32 to index
        %get3A_311 = arith.constant 48 : index
        %get3A_312 = tpu.vector_load %arg7[%get3A_309, %get3A_310, %get3A_311] {strides = array<i32>} : memref<4x50x128xf32, #tpu.memory_space<vmem>>, vector<1x1x16xf32>,
        %get3A_313 = vector.shape_cast %get3A_312 : vector<1x1x16xf32> to vector<16xf32>
        %swap3A_314 = arith.constant 2 : i32
        %swap3A_315 = arith.index_cast %swap3A_314 : i32 to index
        %swap3A_316 = arith.index_cast %add3A_270 : i32 to index
        %swap3A_317 = arith.constant 48 : index
        %swap3A_318 = tpu.vector_load %arg9[%swap3A_315, %swap3A_316, %swap3A_317] {strides = array<i32>} : memref<8x50x64xf32, #tpu.memory_space<vmem>>, vector<1x1x16xf32>,
        %swap3A_319 = vector.shape_cast %swap3A_318 : vector<1x1x16xf32> to vector<16xf32>
        %swap3A_320 = vector.shape_cast %get3A_313 : vector<16xf32> to vector<1x1x16xf32>
        tpu.vector_store %arg9[%swap3A_315, %swap3A_316, %swap3A_317], %swap3A_320 {strides = array<i32>} : memref<8x50x64xf32, #tpu.memory_space<vmem>>, vector<1x1x16xf32>,
      }
      %scan3A_163 = arith.constant 50 : i32
      %scan3A_164 = arith.constant 0 : i32
      %scan3A_165 = arith.constant 50 : i32
      %scan3A_166 = arith.addi %scan3A_164, %scan3A_165 : i32
      %scan3A_167 = arith.constant 1 : i32
      scf.for %scan3A_266 = %scan3A_164 to %scan3A_166 step %scan3A_167  : i32 {
        %mul3A_267 = arith.constant 1 : i32
        %mul3A_268 = arith.muli %scan3A_266, %mul3A_267 : i32
        %add3A_269 = arith.constant 0 : i32
        %add3A_270 = arith.addi %add3A_269, %mul3A_268 : i32
        %get3A = arith.constant 3 : i32
        %get3A_271 = arith.index_cast %get3A : i32 to index
        %get3A_272 = arith.index_cast %add3A_270 : i32 to index
        %get3A_273 = arith.constant 0 : index
        %get3A_274 = tpu.vector_load %arg7[%get3A_271, %get3A_272, %get3A_273] {strides = array<i32>} : memref<4x50x128xf32, #tpu.memory_space<vmem>>, vector<1x1x16xf32>,
        %get3A_275 = vector.shape_cast %get3A_274 : vector<1x1x16xf32> to vector<16xf32>
        %swap3A = arith.constant 3 : i32
        %swap3A_276 = arith.index_cast %swap3A : i32 to index
        %swap3A_277 = arith.index_cast %add3A_270 : i32 to index
        %swap3A_278 = arith.constant 0 : index
        %swap3A_279 = tpu.vector_load %arg9[%swap3A_276, %swap3A_277, %swap3A_278] {strides = array<i32>} : memref<8x50x64xf32, #tpu.memory_space<vmem>>, vector<1x1x16xf32>,
        %swap3A_280 = vector.shape_cast %swap3A_279 : vector<1x1x16xf32> to vector<16xf32>
        %swap3A_281 = vector.shape_cast %get3A_275 : vector<16xf32> to vector<1x1x16xf32>
        tpu.vector_store %arg9[%swap3A_276, %swap3A_277, %swap3A_278], %swap3A_281 {strides = array<i32>} : memref<8x50x64xf32, #tpu.memory_space<vmem>>, vector<1x1x16xf32>,
        %get3A_282 = arith.constant 3 : i32
        %get3A_283 = arith.index_cast %get3A_282 : i32 to index
        %get3A_284 = arith.index_cast %add3A_270 : i32 to index
        %get3A_285 = arith.constant 16 : index
        %get3A_286 = tpu.vector_load %arg7[%get3A_283, %get3A_284, %get3A_285] {strides = array<i32>} : memref<4x50x128xf32, #tpu.memory_space<vmem>>, vector<1x1x16xf32>,
        %get3A_287 = vector.shape_cast %get3A_286 : vector<1x1x16xf32> to vector<16xf32>
        %swap3A_288 = arith.constant 3 : i32
        %swap3A_289 = arith.index_cast %swap3A_288 : i32 to index
        %swap3A_290 = arith.index_cast %add3A_270 : i32 to index
        %swap3A_291 = arith.constant 16 : index
        %swap3A_292 = tpu.vector_load %arg9[%swap3A_289, %swap3A_290, %swap3A_291] {strides = array<i32>} : memref<8x50x64xf32, #tpu.memory_space<vmem>>, vector<1x1x16xf32>,
        %swap3A_293 = vector.shape_cast %swap3A_292 : vector<1x1x16xf32> to vector<16xf32>
        %swap3A_294 = vector.shape_cast %get3A_287 : vector<16xf32> to vector<1x1x16xf32>
        tpu.vector_store %arg9[%swap3A_289, %swap3A_290, %swap3A_291], %swap3A_294 {strides = array<i32>} : memref<8x50x64xf32, #tpu.memory_space<vmem>>, vector<1x1x16xf32>,
        %get3A_295 = arith.constant 3 : i32
        %get3A_296 = arith.index_cast %get3A_295 : i32 to index
        %get3A_297 = arith.index_cast %add3A_270 : i32 to index
        %get3A_298 = arith.constant 32 : index
        %get3A_299 = tpu.vector_load %arg7[%get3A_296, %get3A_297, %get3A_298] {strides = array<i32>} : memref<4x50x128xf32, #tpu.memory_space<vmem>>, vector<1x1x16xf32>,
        %get3A_300 = vector.shape_cast %get3A_299 : vector<1x1x16xf32> to vector<16xf32>
        %swap3A_301 = arith.constant 3 : i32
        %swap3A_302 = arith.index_cast %swap3A_301 : i32 to index
        %swap3A_303 = arith.index_cast %add3A_270 : i32 to index
        %swap3A_304 = arith.constant 32 : index
        %swap3A_305 = tpu.vector_load %arg9[%swap3A_302, %swap3A_303, %swap3A_304] {strides = array<i32>} : memref<8x50x64xf32, #tpu.memory_space<vmem>>, vector<1x1x16xf32>,
        %swap3A_306 = vector.shape_cast %swap3A_305 : vector<1x1x16xf32> to vector<16xf32>
        %swap3A_307 = vector.shape_cast %get3A_300 : vector<16xf32> to vector<1x1x16xf32>
        tpu.vector_store %arg9[%swap3A_302, %swap3A_303, %swap3A_304], %swap3A_307 {strides = array<i32>} : memref<8x50x64xf32, #tpu.memory_space<vmem>>, vector<1x1x16xf32>,
        %get3A_308 = arith.constant 3 : i32
        %get3A_309 = arith.index_cast %get3A_308 : i32 to index
        %get3A_310 = arith.index_cast %add3A_270 : i32 to index
        %get3A_311 = arith.constant 48 : index
        %get3A_312 = tpu.vector_load %arg7[%get3A_309, %get3A_310, %get3A_311] {strides = array<i32>} : memref<4x50x128xf32, #tpu.memory_space<vmem>>, vector<1x1x16xf32>,
        %get3A_313 = vector.shape_cast %get3A_312 : vector<1x1x16xf32> to vector<16xf32>
        %swap3A_314 = arith.constant 3 : i32
        %swap3A_315 = arith.index_cast %swap3A_314 : i32 to index
        %swap3A_316 = arith.index_cast %add3A_270 : i32 to index
        %swap3A_317 = arith.constant 48 : index
        %swap3A_318 = tpu.vector_load %arg9[%swap3A_315, %swap3A_316, %swap3A_317] {strides = array<i32>} : memref<8x50x64xf32, #tpu.memory_space<vmem>>, vector<1x1x16xf32>,
        %swap3A_319 = vector.shape_cast %swap3A_318 : vector<1x1x16xf32> to vector<16xf32>
        %swap3A_320 = vector.shape_cast %get3A_313 : vector<16xf32> to vector<1x1x16xf32>
        tpu.vector_store %arg9[%swap3A_315, %swap3A_316, %swap3A_317], %swap3A_320 {strides = array<i32>} : memref<8x50x64xf32, #tpu.memory_space<vmem>>, vector<1x1x16xf32>,
      }
      %scan3A_168 = arith.constant 50 : i32
      %mul3A_169 = arith.constant 2 : i32
      %mul3A_170 = arith.muli %add3A_81, %mul3A_169 : i32
      %add3A_171 = arith.constant 1 : i32
      %add3A_172 = arith.addi %mul3A_170, %add3A_171 : i32
      %add3A_173 = arith.constant 1 : i32
      %add3A_174 = arith.addi %add3A_172, %add3A_173 : i32
      %lt3A_175 = arith.constant 128 : i32
      %lt3A_176 = arith.cmpi slt, %add3A_174, %lt3A_175 : i32
      %convert_element_type3A_177 = arith.extui %lt3A_176 : i1 to i32
      %cond3A_178 = arith.constant 0 : i32
      %cond3A_179 = arith.cmpi ne, %convert_element_type3A_177, %cond3A_178 : i32
      scf.if %cond3A_179 {
        %add3A_266 = arith.constant 1 : i32
        %add3A_267 = arith.addi %add3A_172, %add3A_266 : i32
        %mul3A_268 = arith.constant 4 : i32
        %mul3A_269 = arith.muli %add3A_267, %mul3A_268 : i32
        %add3A_270 = arith.addi %mul3A_2, %mul3A_269 : i32
        %dma_wait3A_271 = arith.constant 0 : i32
        %dma_wait3A_272 = tpu.memref_slice %arg3[%add3A_270, %dma_wait3A_271] : memref<16384x50xi32, #tpu.memory_space<hbm>> -> memref<4x50xi32, #tpu.memory_space<hbm>>
        %dma_wait3A_273 = arith.constant 0 : i32
        %dma_wait3A_274 = tpu.memref_slice %arg3[%add3A_270, %dma_wait3A_273] : memref<16384x50xi32, #tpu.memory_space<hbm>> -> memref<4x50xi32, #tpu.memory_space<hbm>>
        tpu.wait_dma2 semaphore(%arg10 : memref<!tpu.dma_semaphore, #tpu.memory_space<semaphore_mem>>) src(%dma_wait3A_274 : memref<4x50xi32, #tpu.memory_space<hbm>>) dst(%arg5 : memref<4x50xi32, #tpu.memory_space<vmem>>)
        %dma_start3A_275 = arith.constant 0 : i32
        %dma_start3A_276 = arith.constant 0 : i32
        %dma_start3A_277 = arith.constant 0 : i32
        %dma_start3A_278 = arith.constant 0 : i32
        %dma_start3A_279 = tpu.memref_slice %arg7[%dma_start3A_276, %dma_start3A_277, %dma_start3A_278] : memref<4x50x128xf32, #tpu.memory_space<vmem>> -> memref<1x50x128xf32, #tpu.memory_space<vmem>>
        %dma_start3A_280 = tpu.memref_squeeze %dma_start3A_279 : memref<1x50x128xf32, #tpu.memory_space<vmem>> -> memref<50x128xf32, #tpu.memory_space<vmem>>
        %dma_start3A_281 = arith.constant 0 : i32
        %dma_start3A_282 = tpu.memref_slice %arg5[%dma_start3A_275, %dma_start3A_281] : memref<4x50xi32, #tpu.memory_space<vmem>> -> memref<1x50xi32, #tpu.memory_space<vmem>>
        %dma_start3A_283 = tpu.memref_squeeze %dma_start3A_282 : memref<1x50xi32, #tpu.memory_space<vmem>> -> memref<50xi32, #tpu.memory_space<vmem>>
        %dma_start3A_284 = arith.constant 0 : i32
        %dma_start3A_285 = arith.constant 0 : i32
        %dma_start3A_286 = tpu.memref_slice %arg2[%dma_start3A_284, %dma_start3A_285] : memref<1000000x128xf32, #tpu.memory_space<hbm>> -> memref<1000000x128xf32, #tpu.memory_space<hbm>>
        tpu.enqueue_indirect_dma source(%dma_start3A_286 : memref<1000000x128xf32, #tpu.memory_space<hbm>>) target(%dma_start3A_280 : memref<50x128xf32, #tpu.memory_space<vmem>>) offsets(%dma_start3A_283 : memref<50xi32, #tpu.memory_space<vmem>>) semaphore(%arg12 : memref<!tpu.dma_semaphore, #tpu.memory_space<semaphore_mem>>)
        %dma_start3A_287 = arith.constant 1 : i32
        %dma_start3A_288 = arith.constant 1 : i32
        %dma_start3A_289 = arith.constant 0 : i32
        %dma_start3A_290 = arith.constant 0 : i32
        %dma_start3A_291 = tpu.memref_slice %arg7[%dma_start3A_288, %dma_start3A_289, %dma_start3A_290] : memref<4x50x128xf32, #tpu.memory_space<vmem>> -> memref<1x50x128xf32, #tpu.memory_space<vmem>>
        %dma_start3A_292 = tpu.memref_squeeze %dma_start3A_291 : memref<1x50x128xf32, #tpu.memory_space<vmem>> -> memref<50x128xf32, #tpu.memory_space<vmem>>
        %dma_start3A_293 = arith.constant 0 : i32
        %dma_start3A_294 = tpu.memref_slice %arg5[%dma_start3A_287, %dma_start3A_293] : memref<4x50xi32, #tpu.memory_space<vmem>> -> memref<1x50xi32, #tpu.memory_space<vmem>>
        %dma_start3A_295 = tpu.memref_squeeze %dma_start3A_294 : memref<1x50xi32, #tpu.memory_space<vmem>> -> memref<50xi32, #tpu.memory_space<vmem>>
        %dma_start3A_296 = arith.constant 0 : i32
        %dma_start3A_297 = arith.constant 0 : i32
        %dma_start3A_298 = tpu.memref_slice %arg2[%dma_start3A_296, %dma_start3A_297] : memref<1000000x128xf32, #tpu.memory_space<hbm>> -> memref<1000000x128xf32, #tpu.memory_space<hbm>>
        tpu.enqueue_indirect_dma source(%dma_start3A_298 : memref<1000000x128xf32, #tpu.memory_space<hbm>>) target(%dma_start3A_292 : memref<50x128xf32, #tpu.memory_space<vmem>>) offsets(%dma_start3A_295 : memref<50xi32, #tpu.memory_space<vmem>>) semaphore(%arg12 : memref<!tpu.dma_semaphore, #tpu.memory_space<semaphore_mem>>)
        %dma_start3A_299 = arith.constant 2 : i32
        %dma_start3A_300 = arith.constant 2 : i32
        %dma_start3A_301 = arith.constant 0 : i32
        %dma_start3A_302 = arith.constant 0 : i32
        %dma_start3A_303 = tpu.memref_slice %arg7[%dma_start3A_300, %dma_start3A_301, %dma_start3A_302] : memref<4x50x128xf32, #tpu.memory_space<vmem>> -> memref<1x50x128xf32, #tpu.memory_space<vmem>>
        %dma_start3A_304 = tpu.memref_squeeze %dma_start3A_303 : memref<1x50x128xf32, #tpu.memory_space<vmem>> -> memref<50x128xf32, #tpu.memory_space<vmem>>
        %dma_start3A_305 = arith.constant 0 : i32
        %dma_start3A_306 = tpu.memref_slice %arg5[%dma_start3A_299, %dma_start3A_305] : memref<4x50xi32, #tpu.memory_space<vmem>> -> memref<1x50xi32, #tpu.memory_space<vmem>>
        %dma_start3A_307 = tpu.memref_squeeze %dma_start3A_306 : memref<1x50xi32, #tpu.memory_space<vmem>> -> memref<50xi32, #tpu.memory_space<vmem>>
        %dma_start3A_308 = arith.constant 0 : i32
        %dma_start3A_309 = arith.constant 0 : i32
        %dma_start3A_310 = tpu.memref_slice %arg2[%dma_start3A_308, %dma_start3A_309] : memref<1000000x128xf32, #tpu.memory_space<hbm>> -> memref<1000000x128xf32, #tpu.memory_space<hbm>>
        tpu.enqueue_indirect_dma source(%dma_start3A_310 : memref<1000000x128xf32, #tpu.memory_space<hbm>>) target(%dma_start3A_304 : memref<50x128xf32, #tpu.memory_space<vmem>>) offsets(%dma_start3A_307 : memref<50xi32, #tpu.memory_space<vmem>>) semaphore(%arg12 : memref<!tpu.dma_semaphore, #tpu.memory_space<semaphore_mem>>)
        %dma_start3A_311 = arith.constant 3 : i32
        %dma_start3A_312 = arith.constant 3 : i32
        %dma_start3A_313 = arith.constant 0 : i32
        %dma_start3A_314 = arith.constant 0 : i32
        %dma_start3A_315 = tpu.memref_slice %arg7[%dma_start3A_312, %dma_start3A_313, %dma_start3A_314] : memref<4x50x128xf32, #tpu.memory_space<vmem>> -> memref<1x50x128xf32, #tpu.memory_space<vmem>>
        %dma_start3A_316 = tpu.memref_squeeze %dma_start3A_315 : memref<1x50x128xf32, #tpu.memory_space<vmem>> -> memref<50x128xf32, #tpu.memory_space<vmem>>
        %dma_start3A_317 = arith.constant 0 : i32
        %dma_start3A_318 = tpu.memref_slice %arg5[%dma_start3A_311, %dma_start3A_317] : memref<4x50xi32, #tpu.memory_space<vmem>> -> memref<1x50xi32, #tpu.memory_space<vmem>>
        %dma_start3A_319 = tpu.memref_squeeze %dma_start3A_318 : memref<1x50xi32, #tpu.memory_space<vmem>> -> memref<50xi32, #tpu.memory_space<vmem>>
        %dma_start3A_320 = arith.constant 0 : i32
        %dma_start3A_321 = arith.constant 0 : i32
        %dma_start3A_322 = tpu.memref_slice %arg2[%dma_start3A_320, %dma_start3A_321] : memref<1000000x128xf32, #tpu.memory_space<hbm>> -> memref<1000000x128xf32, #tpu.memory_space<hbm>>
        tpu.enqueue_indirect_dma source(%dma_start3A_322 : memref<1000000x128xf32, #tpu.memory_space<hbm>>) target(%dma_start3A_316 : memref<50x128xf32, #tpu.memory_space<vmem>>) offsets(%dma_start3A_319 : memref<50xi32, #tpu.memory_space<vmem>>) semaphore(%arg12 : memref<!tpu.dma_semaphore, #tpu.memory_space<semaphore_mem>>)
      } else {
      }
      %dma_wait3A_180 = arith.constant 0 : i32
      %dma_wait3A_181 = arith.constant 0 : i32
      %dma_wait3A_182 = arith.constant 0 : i32
      %dma_wait3A_183 = arith.constant 0 : i32
      %dma_wait3A_184 = tpu.memref_slice %arg8[%dma_wait3A_181, %dma_wait3A_182, %dma_wait3A_183] : memref<4x50x128xf32, #tpu.memory_space<vmem>> -> memref<1x50x128xf32, #tpu.memory_space<vmem>>
      %dma_wait3A_185 = tpu.memref_squeeze %dma_wait3A_184 : memref<1x50x128xf32, #tpu.memory_space<vmem>> -> memref<50x128xf32, #tpu.memory_space<vmem>>
      %dma_wait3A_186 = arith.constant 0 : i32
      %dma_wait3A_187 = tpu.memref_slice %arg6[%dma_wait3A_180, %dma_wait3A_186] : memref<4x50xi32, #tpu.memory_space<vmem>> -> memref<1x50xi32, #tpu.memory_space<vmem>>
      %dma_wait3A_188 = tpu.memref_squeeze %dma_wait3A_187 : memref<1x50xi32, #tpu.memory_space<vmem>> -> memref<50xi32, #tpu.memory_space<vmem>>
      %dma_wait3A_189 = arith.constant 0 : i32
      %dma_wait3A_190 = arith.constant 0 : i32
      %dma_wait3A_191 = tpu.memref_slice %arg2[%dma_wait3A_189, %dma_wait3A_190] : memref<1000000x128xf32, #tpu.memory_space<hbm>> -> memref<1000000x128xf32, #tpu.memory_space<hbm>>
      tpu.wait_indirect_dma semaphore(%arg13 : memref<!tpu.dma_semaphore, #tpu.memory_space<semaphore_mem>>) src(%dma_wait3A_191 : memref<1000000x128xf32, #tpu.memory_space<hbm>>) dst(%dma_wait3A_185 : memref<50x128xf32, #tpu.memory_space<vmem>>)
      %dma_wait3A_192 = arith.constant 1 : i32
      %dma_wait3A_193 = arith.constant 1 : i32
      %dma_wait3A_194 = arith.constant 0 : i32
      %dma_wait3A_195 = arith.constant 0 : i32
      %dma_wait3A_196 = tpu.memref_slice %arg8[%dma_wait3A_193, %dma_wait3A_194, %dma_wait3A_195] : memref<4x50x128xf32, #tpu.memory_space<vmem>> -> memref<1x50x128xf32, #tpu.memory_space<vmem>>
      %dma_wait3A_197 = tpu.memref_squeeze %dma_wait3A_196 : memref<1x50x128xf32, #tpu.memory_space<vmem>> -> memref<50x128xf32, #tpu.memory_space<vmem>>
      %dma_wait3A_198 = arith.constant 0 : i32
      %dma_wait3A_199 = tpu.memref_slice %arg6[%dma_wait3A_192, %dma_wait3A_198] : memref<4x50xi32, #tpu.memory_space<vmem>> -> memref<1x50xi32, #tpu.memory_space<vmem>>
      %dma_wait3A_200 = tpu.memref_squeeze %dma_wait3A_199 : memref<1x50xi32, #tpu.memory_space<vmem>> -> memref<50xi32, #tpu.memory_space<vmem>>
      %dma_wait3A_201 = arith.constant 0 : i32
      %dma_wait3A_202 = arith.constant 0 : i32
      %dma_wait3A_203 = tpu.memref_slice %arg2[%dma_wait3A_201, %dma_wait3A_202] : memref<1000000x128xf32, #tpu.memory_space<hbm>> -> memref<1000000x128xf32, #tpu.memory_space<hbm>>
      tpu.wait_indirect_dma semaphore(%arg13 : memref<!tpu.dma_semaphore, #tpu.memory_space<semaphore_mem>>) src(%dma_wait3A_203 : memref<1000000x128xf32, #tpu.memory_space<hbm>>) dst(%dma_wait3A_197 : memref<50x128xf32, #tpu.memory_space<vmem>>)
      %dma_wait3A_204 = arith.constant 2 : i32
      %dma_wait3A_205 = arith.constant 2 : i32
      %dma_wait3A_206 = arith.constant 0 : i32
      %dma_wait3A_207 = arith.constant 0 : i32
      %dma_wait3A_208 = tpu.memref_slice %arg8[%dma_wait3A_205, %dma_wait3A_206, %dma_wait3A_207] : memref<4x50x128xf32, #tpu.memory_space<vmem>> -> memref<1x50x128xf32, #tpu.memory_space<vmem>>
      %dma_wait3A_209 = tpu.memref_squeeze %dma_wait3A_208 : memref<1x50x128xf32, #tpu.memory_space<vmem>> -> memref<50x128xf32, #tpu.memory_space<vmem>>
      %dma_wait3A_210 = arith.constant 0 : i32
      %dma_wait3A_211 = tpu.memref_slice %arg6[%dma_wait3A_204, %dma_wait3A_210] : memref<4x50xi32, #tpu.memory_space<vmem>> -> memref<1x50xi32, #tpu.memory_space<vmem>>
      %dma_wait3A_212 = tpu.memref_squeeze %dma_wait3A_211 : memref<1x50xi32, #tpu.memory_space<vmem>> -> memref<50xi32, #tpu.memory_space<vmem>>
      %dma_wait3A_213 = arith.constant 0 : i32
      %dma_wait3A_214 = arith.constant 0 : i32
      %dma_wait3A_215 = tpu.memref_slice %arg2[%dma_wait3A_213, %dma_wait3A_214] : memref<1000000x128xf32, #tpu.memory_space<hbm>> -> memref<1000000x128xf32, #tpu.memory_space<hbm>>
      tpu.wait_indirect_dma semaphore(%arg13 : memref<!tpu.dma_semaphore, #tpu.memory_space<semaphore_mem>>) src(%dma_wait3A_215 : memref<1000000x128xf32, #tpu.memory_space<hbm>>) dst(%dma_wait3A_209 : memref<50x128xf32, #tpu.memory_space<vmem>>)
      %dma_wait3A_216 = arith.constant 3 : i32
      %dma_wait3A_217 = arith.constant 3 : i32
      %dma_wait3A_218 = arith.constant 0 : i32
      %dma_wait3A_219 = arith.constant 0 : i32
      %dma_wait3A_220 = tpu.memref_slice %arg8[%dma_wait3A_217, %dma_wait3A_218, %dma_wait3A_219] : memref<4x50x128xf32, #tpu.memory_space<vmem>> -> memref<1x50x128xf32, #tpu.memory_space<vmem>>
      %dma_wait3A_221 = tpu.memref_squeeze %dma_wait3A_220 : memref<1x50x128xf32, #tpu.memory_space<vmem>> -> memref<50x128xf32, #tpu.memory_space<vmem>>
      %dma_wait3A_222 = arith.constant 0 : i32
      %dma_wait3A_223 = tpu.memref_slice %arg6[%dma_wait3A_216, %dma_wait3A_222] : memref<4x50xi32, #tpu.memory_space<vmem>> -> memref<1x50xi32, #tpu.memory_space<vmem>>
      %dma_wait3A_224 = tpu.memref_squeeze %dma_wait3A_223 : memref<1x50xi32, #tpu.memory_space<vmem>> -> memref<50xi32, #tpu.memory_space<vmem>>
      %dma_wait3A_225 = arith.constant 0 : i32
      %dma_wait3A_226 = arith.constant 0 : i32
      %dma_wait3A_227 = tpu.memref_slice %arg2[%dma_wait3A_225, %dma_wait3A_226] : memref<1000000x128xf32, #tpu.memory_space<hbm>> -> memref<1000000x128xf32, #tpu.memory_space<hbm>>
      tpu.wait_indirect_dma semaphore(%arg13 : memref<!tpu.dma_semaphore, #tpu.memory_space<semaphore_mem>>) src(%dma_wait3A_227 : memref<1000000x128xf32, #tpu.memory_space<hbm>>) dst(%dma_wait3A_221 : memref<50x128xf32, #tpu.memory_space<vmem>>)
      %add3A_228 = arith.constant 2 : i32
      %add3A_229 = arith.addi %add3A_172, %add3A_228 : i32
      %lt3A_230 = arith.constant 128 : i32
      %lt3A_231 = arith.cmpi slt, %add3A_229, %lt3A_230 : i32
      %convert_element_type3A_232 = arith.extui %lt3A_231 : i1 to i32
      %cond3A_233 = arith.constant 0 : i32
      %cond3A_234 = arith.cmpi ne, %convert_element_type3A_232, %cond3A_233 : i32
      scf.if %cond3A_234 {
        %add3A_266 = arith.constant 2 : i32
        %add3A_267 = arith.addi %add3A_172, %add3A_266 : i32
        %mul3A_268 = arith.constant 4 : i32
        %mul3A_269 = arith.muli %add3A_267, %mul3A_268 : i32
        %add3A_270 = arith.addi %mul3A_2, %mul3A_269 : i32
        %dma_start3A_271 = arith.constant 0 : i32
        %dma_start3A_272 = tpu.memref_slice %arg3[%add3A_270, %dma_start3A_271] : memref<16384x50xi32, #tpu.memory_space<hbm>> -> memref<4x50xi32, #tpu.memory_space<hbm>>
        %dma_start3A_273 = arith.constant 0 : i32
        %dma_start3A_274 = tpu.memref_slice %arg3[%add3A_270, %dma_start3A_273] : memref<16384x50xi32, #tpu.memory_space<hbm>> -> memref<4x50xi32, #tpu.memory_space<hbm>>
        tpu.enqueue_dma source(%dma_start3A_274 : memref<4x50xi32, #tpu.memory_space<hbm>>) target(%arg6 : memref<4x50xi32, #tpu.memory_space<vmem>>) target_semaphore(%arg11 : memref<!tpu.dma_semaphore, #tpu.memory_space<semaphore_mem>>)
      } else {
      }
      %scan3A_235 = arith.constant 0 : i32
      %scan3A_236 = arith.constant 50 : i32
      %scan3A_237 = arith.addi %scan3A_235, %scan3A_236 : i32
      %scan3A_238 = arith.constant 1 : i32
      scf.for %scan3A_266 = %scan3A_235 to %scan3A_237 step %scan3A_238  : i32 {
        %mul3A_267 = arith.constant 1 : i32
        %mul3A_268 = arith.muli %scan3A_266, %mul3A_267 : i32
        %add3A_269 = arith.constant 0 : i32
        %add3A_270 = arith.addi %add3A_269, %mul3A_268 : i32
        %get3A = arith.constant 0 : i32
        %get3A_271 = arith.index_cast %get3A : i32 to index
        %get3A_272 = arith.index_cast %add3A_270 : i32 to index
        %get3A_273 = arith.constant 0 : index
        %get3A_274 = tpu.vector_load %arg8[%get3A_271, %get3A_272, %get3A_273] {strides = array<i32>} : memref<4x50x128xf32, #tpu.memory_space<vmem>>, vector<1x1x16xf32>,
        %get3A_275 = vector.shape_cast %get3A_274 : vector<1x1x16xf32> to vector<16xf32>
        %swap3A = arith.constant 4 : i32
        %swap3A_276 = arith.index_cast %swap3A : i32 to index
        %swap3A_277 = arith.index_cast %add3A_270 : i32 to index
        %swap3A_278 = arith.constant 0 : index
        %swap3A_279 = tpu.vector_load %arg9[%swap3A_276, %swap3A_277, %swap3A_278] {strides = array<i32>} : memref<8x50x64xf32, #tpu.memory_space<vmem>>, vector<1x1x16xf32>,
        %swap3A_280 = vector.shape_cast %swap3A_279 : vector<1x1x16xf32> to vector<16xf32>
        %swap3A_281 = vector.shape_cast %get3A_275 : vector<16xf32> to vector<1x1x16xf32>
        tpu.vector_store %arg9[%swap3A_276, %swap3A_277, %swap3A_278], %swap3A_281 {strides = array<i32>} : memref<8x50x64xf32, #tpu.memory_space<vmem>>, vector<1x1x16xf32>,
        %get3A_282 = arith.constant 0 : i32
        %get3A_283 = arith.index_cast %get3A_282 : i32 to index
        %get3A_284 = arith.index_cast %add3A_270 : i32 to index
        %get3A_285 = arith.constant 16 : index
        %get3A_286 = tpu.vector_load %arg8[%get3A_283, %get3A_284, %get3A_285] {strides = array<i32>} : memref<4x50x128xf32, #tpu.memory_space<vmem>>, vector<1x1x16xf32>,
        %get3A_287 = vector.shape_cast %get3A_286 : vector<1x1x16xf32> to vector<16xf32>
        %swap3A_288 = arith.constant 4 : i32
        %swap3A_289 = arith.index_cast %swap3A_288 : i32 to index
        %swap3A_290 = arith.index_cast %add3A_270 : i32 to index
        %swap3A_291 = arith.constant 16 : index
        %swap3A_292 = tpu.vector_load %arg9[%swap3A_289, %swap3A_290, %swap3A_291] {strides = array<i32>} : memref<8x50x64xf32, #tpu.memory_space<vmem>>, vector<1x1x16xf32>,
        %swap3A_293 = vector.shape_cast %swap3A_292 : vector<1x1x16xf32> to vector<16xf32>
        %swap3A_294 = vector.shape_cast %get3A_287 : vector<16xf32> to vector<1x1x16xf32>
        tpu.vector_store %arg9[%swap3A_289, %swap3A_290, %swap3A_291], %swap3A_294 {strides = array<i32>} : memref<8x50x64xf32, #tpu.memory_space<vmem>>, vector<1x1x16xf32>,
        %get3A_295 = arith.constant 0 : i32
        %get3A_296 = arith.index_cast %get3A_295 : i32 to index
        %get3A_297 = arith.index_cast %add3A_270 : i32 to index
        %get3A_298 = arith.constant 32 : index
        %get3A_299 = tpu.vector_load %arg8[%get3A_296, %get3A_297, %get3A_298] {strides = array<i32>} : memref<4x50x128xf32, #tpu.memory_space<vmem>>, vector<1x1x16xf32>,
        %get3A_300 = vector.shape_cast %get3A_299 : vector<1x1x16xf32> to vector<16xf32>
        %swap3A_301 = arith.constant 4 : i32
        %swap3A_302 = arith.index_cast %swap3A_301 : i32 to index
        %swap3A_303 = arith.index_cast %add3A_270 : i32 to index
        %swap3A_304 = arith.constant 32 : index
        %swap3A_305 = tpu.vector_load %arg9[%swap3A_302, %swap3A_303, %swap3A_304] {strides = array<i32>} : memref<8x50x64xf32, #tpu.memory_space<vmem>>, vector<1x1x16xf32>,
        %swap3A_306 = vector.shape_cast %swap3A_305 : vector<1x1x16xf32> to vector<16xf32>
        %swap3A_307 = vector.shape_cast %get3A_300 : vector<16xf32> to vector<1x1x16xf32>
        tpu.vector_store %arg9[%swap3A_302, %swap3A_303, %swap3A_304], %swap3A_307 {strides = array<i32>} : memref<8x50x64xf32, #tpu.memory_space<vmem>>, vector<1x1x16xf32>,
        %get3A_308 = arith.constant 0 : i32
        %get3A_309 = arith.index_cast %get3A_308 : i32 to index
        %get3A_310 = arith.index_cast %add3A_270 : i32 to index
        %get3A_311 = arith.constant 48 : index
        %get3A_312 = tpu.vector_load %arg8[%get3A_309, %get3A_310, %get3A_311] {strides = array<i32>} : memref<4x50x128xf32, #tpu.memory_space<vmem>>, vector<1x1x16xf32>,
        %get3A_313 = vector.shape_cast %get3A_312 : vector<1x1x16xf32> to vector<16xf32>
        %swap3A_314 = arith.constant 4 : i32
        %swap3A_315 = arith.index_cast %swap3A_314 : i32 to index
        %swap3A_316 = arith.index_cast %add3A_270 : i32 to index
        %swap3A_317 = arith.constant 48 : index
        %swap3A_318 = tpu.vector_load %arg9[%swap3A_315, %swap3A_316, %swap3A_317] {strides = array<i32>} : memref<8x50x64xf32, #tpu.memory_space<vmem>>, vector<1x1x16xf32>,
        %swap3A_319 = vector.shape_cast %swap3A_318 : vector<1x1x16xf32> to vector<16xf32>
        %swap3A_320 = vector.shape_cast %get3A_313 : vector<16xf32> to vector<1x1x16xf32>
        tpu.vector_store %arg9[%swap3A_315, %swap3A_316, %swap3A_317], %swap3A_320 {strides = array<i32>} : memref<8x50x64xf32, #tpu.memory_space<vmem>>, vector<1x1x16xf32>,
      }
      %scan3A_239 = arith.constant 50 : i32
      %scan3A_240 = arith.constant 0 : i32
      %scan3A_241 = arith.constant 50 : i32
      %scan3A_242 = arith.addi %scan3A_240, %scan3A_241 : i32
      %scan3A_243 = arith.constant 1 : i32
      scf.for %scan3A_266 = %scan3A_240 to %scan3A_242 step %scan3A_243  : i32 {
        %mul3A_267 = arith.constant 1 : i32
        %mul3A_268 = arith.muli %scan3A_266, %mul3A_267 : i32
        %add3A_269 = arith.constant 0 : i32
        %add3A_270 = arith.addi %add3A_269, %mul3A_268 : i32
        %get3A = arith.constant 1 : i32
        %get3A_271 = arith.index_cast %get3A : i32 to index
        %get3A_272 = arith.index_cast %add3A_270 : i32 to index
        %get3A_273 = arith.constant 0 : index
        %get3A_274 = tpu.vector_load %arg8[%get3A_271, %get3A_272, %get3A_273] {strides = array<i32>} : memref<4x50x128xf32, #tpu.memory_space<vmem>>, vector<1x1x16xf32>,
        %get3A_275 = vector.shape_cast %get3A_274 : vector<1x1x16xf32> to vector<16xf32>
        %swap3A = arith.constant 5 : i32
        %swap3A_276 = arith.index_cast %swap3A : i32 to index
        %swap3A_277 = arith.index_cast %add3A_270 : i32 to index
        %swap3A_278 = arith.constant 0 : index
        %swap3A_279 = tpu.vector_load %arg9[%swap3A_276, %swap3A_277, %swap3A_278] {strides = array<i32>} : memref<8x50x64xf32, #tpu.memory_space<vmem>>, vector<1x1x16xf32>,
        %swap3A_280 = vector.shape_cast %swap3A_279 : vector<1x1x16xf32> to vector<16xf32>
        %swap3A_281 = vector.shape_cast %get3A_275 : vector<16xf32> to vector<1x1x16xf32>
        tpu.vector_store %arg9[%swap3A_276, %swap3A_277, %swap3A_278], %swap3A_281 {strides = array<i32>} : memref<8x50x64xf32, #tpu.memory_space<vmem>>, vector<1x1x16xf32>,
        %get3A_282 = arith.constant 1 : i32
        %get3A_283 = arith.index_cast %get3A_282 : i32 to index
        %get3A_284 = arith.index_cast %add3A_270 : i32 to index
        %get3A_285 = arith.constant 16 : index
        %get3A_286 = tpu.vector_load %arg8[%get3A_283, %get3A_284, %get3A_285] {strides = array<i32>} : memref<4x50x128xf32, #tpu.memory_space<vmem>>, vector<1x1x16xf32>,
        %get3A_287 = vector.shape_cast %get3A_286 : vector<1x1x16xf32> to vector<16xf32>
        %swap3A_288 = arith.constant 5 : i32
        %swap3A_289 = arith.index_cast %swap3A_288 : i32 to index
        %swap3A_290 = arith.index_cast %add3A_270 : i32 to index
        %swap3A_291 = arith.constant 16 : index
        %swap3A_292 = tpu.vector_load %arg9[%swap3A_289, %swap3A_290, %swap3A_291] {strides = array<i32>} : memref<8x50x64xf32, #tpu.memory_space<vmem>>, vector<1x1x16xf32>,
        %swap3A_293 = vector.shape_cast %swap3A_292 : vector<1x1x16xf32> to vector<16xf32>
        %swap3A_294 = vector.shape_cast %get3A_287 : vector<16xf32> to vector<1x1x16xf32>
        tpu.vector_store %arg9[%swap3A_289, %swap3A_290, %swap3A_291], %swap3A_294 {strides = array<i32>} : memref<8x50x64xf32, #tpu.memory_space<vmem>>, vector<1x1x16xf32>,
        %get3A_295 = arith.constant 1 : i32
        %get3A_296 = arith.index_cast %get3A_295 : i32 to index
        %get3A_297 = arith.index_cast %add3A_270 : i32 to index
        %get3A_298 = arith.constant 32 : index
        %get3A_299 = tpu.vector_load %arg8[%get3A_296, %get3A_297, %get3A_298] {strides = array<i32>} : memref<4x50x128xf32, #tpu.memory_space<vmem>>, vector<1x1x16xf32>,
        %get3A_300 = vector.shape_cast %get3A_299 : vector<1x1x16xf32> to vector<16xf32>
        %swap3A_301 = arith.constant 5 : i32
        %swap3A_302 = arith.index_cast %swap3A_301 : i32 to index
        %swap3A_303 = arith.index_cast %add3A_270 : i32 to index
        %swap3A_304 = arith.constant 32 : index
        %swap3A_305 = tpu.vector_load %arg9[%swap3A_302, %swap3A_303, %swap3A_304] {strides = array<i32>} : memref<8x50x64xf32, #tpu.memory_space<vmem>>, vector<1x1x16xf32>,
        %swap3A_306 = vector.shape_cast %swap3A_305 : vector<1x1x16xf32> to vector<16xf32>
        %swap3A_307 = vector.shape_cast %get3A_300 : vector<16xf32> to vector<1x1x16xf32>
        tpu.vector_store %arg9[%swap3A_302, %swap3A_303, %swap3A_304], %swap3A_307 {strides = array<i32>} : memref<8x50x64xf32, #tpu.memory_space<vmem>>, vector<1x1x16xf32>,
        %get3A_308 = arith.constant 1 : i32
        %get3A_309 = arith.index_cast %get3A_308 : i32 to index
        %get3A_310 = arith.index_cast %add3A_270 : i32 to index
        %get3A_311 = arith.constant 48 : index
        %get3A_312 = tpu.vector_load %arg8[%get3A_309, %get3A_310, %get3A_311] {strides = array<i32>} : memref<4x50x128xf32, #tpu.memory_space<vmem>>, vector<1x1x16xf32>,
        %get3A_313 = vector.shape_cast %get3A_312 : vector<1x1x16xf32> to vector<16xf32>
        %swap3A_314 = arith.constant 5 : i32
        %swap3A_315 = arith.index_cast %swap3A_314 : i32 to index
        %swap3A_316 = arith.index_cast %add3A_270 : i32 to index
        %swap3A_317 = arith.constant 48 : index
        %swap3A_318 = tpu.vector_load %arg9[%swap3A_315, %swap3A_316, %swap3A_317] {strides = array<i32>} : memref<8x50x64xf32, #tpu.memory_space<vmem>>, vector<1x1x16xf32>,
        %swap3A_319 = vector.shape_cast %swap3A_318 : vector<1x1x16xf32> to vector<16xf32>
        %swap3A_320 = vector.shape_cast %get3A_313 : vector<16xf32> to vector<1x1x16xf32>
        tpu.vector_store %arg9[%swap3A_315, %swap3A_316, %swap3A_317], %swap3A_320 {strides = array<i32>} : memref<8x50x64xf32, #tpu.memory_space<vmem>>, vector<1x1x16xf32>,
      }
      %scan3A_244 = arith.constant 50 : i32
      %scan3A_245 = arith.constant 0 : i32
      %scan3A_246 = arith.constant 50 : i32
      %scan3A_247 = arith.addi %scan3A_245, %scan3A_246 : i32
      %scan3A_248 = arith.constant 1 : i32
      scf.for %scan3A_266 = %scan3A_245 to %scan3A_247 step %scan3A_248  : i32 {
        %mul3A_267 = arith.constant 1 : i32
        %mul3A_268 = arith.muli %scan3A_266, %mul3A_267 : i32
        %add3A_269 = arith.constant 0 : i32
        %add3A_270 = arith.addi %add3A_269, %mul3A_268 : i32
        %get3A = arith.constant 2 : i32
        %get3A_271 = arith.index_cast %get3A : i32 to index
        %get3A_272 = arith.index_cast %add3A_270 : i32 to index
        %get3A_273 = arith.constant 0 : index
        %get3A_274 = tpu.vector_load %arg8[%get3A_271, %get3A_272, %get3A_273] {strides = array<i32>} : memref<4x50x128xf32, #tpu.memory_space<vmem>>, vector<1x1x16xf32>,
        %get3A_275 = vector.shape_cast %get3A_274 : vector<1x1x16xf32> to vector<16xf32>
        %swap3A = arith.constant 6 : i32
        %swap3A_276 = arith.index_cast %swap3A : i32 to index
        %swap3A_277 = arith.index_cast %add3A_270 : i32 to index
        %swap3A_278 = arith.constant 0 : index
        %swap3A_279 = tpu.vector_load %arg9[%swap3A_276, %swap3A_277, %swap3A_278] {strides = array<i32>} : memref<8x50x64xf32, #tpu.memory_space<vmem>>, vector<1x1x16xf32>,
        %swap3A_280 = vector.shape_cast %swap3A_279 : vector<1x1x16xf32> to vector<16xf32>
        %swap3A_281 = vector.shape_cast %get3A_275 : vector<16xf32> to vector<1x1x16xf32>
        tpu.vector_store %arg9[%swap3A_276, %swap3A_277, %swap3A_278], %swap3A_281 {strides = array<i32>} : memref<8x50x64xf32, #tpu.memory_space<vmem>>, vector<1x1x16xf32>,
        %get3A_282 = arith.constant 2 : i32
        %get3A_283 = arith.index_cast %get3A_282 : i32 to index
        %get3A_284 = arith.index_cast %add3A_270 : i32 to index
        %get3A_285 = arith.constant 16 : index
        %get3A_286 = tpu.vector_load %arg8[%get3A_283, %get3A_284, %get3A_285] {strides = array<i32>} : memref<4x50x128xf32, #tpu.memory_space<vmem>>, vector<1x1x16xf32>,
        %get3A_287 = vector.shape_cast %get3A_286 : vector<1x1x16xf32> to vector<16xf32>
        %swap3A_288 = arith.constant 6 : i32
        %swap3A_289 = arith.index_cast %swap3A_288 : i32 to index
        %swap3A_290 = arith.index_cast %add3A_270 : i32 to index
        %swap3A_291 = arith.constant 16 : index
        %swap3A_292 = tpu.vector_load %arg9[%swap3A_289, %swap3A_290, %swap3A_291] {strides = array<i32>} : memref<8x50x64xf32, #tpu.memory_space<vmem>>, vector<1x1x16xf32>,
        %swap3A_293 = vector.shape_cast %swap3A_292 : vector<1x1x16xf32> to vector<16xf32>
        %swap3A_294 = vector.shape_cast %get3A_287 : vector<16xf32> to vector<1x1x16xf32>
        tpu.vector_store %arg9[%swap3A_289, %swap3A_290, %swap3A_291], %swap3A_294 {strides = array<i32>} : memref<8x50x64xf32, #tpu.memory_space<vmem>>, vector<1x1x16xf32>,
        %get3A_295 = arith.constant 2 : i32
        %get3A_296 = arith.index_cast %get3A_295 : i32 to index
        %get3A_297 = arith.index_cast %add3A_270 : i32 to index
        %get3A_298 = arith.constant 32 : index
        %get3A_299 = tpu.vector_load %arg8[%get3A_296, %get3A_297, %get3A_298] {strides = array<i32>} : memref<4x50x128xf32, #tpu.memory_space<vmem>>, vector<1x1x16xf32>,
        %get3A_300 = vector.shape_cast %get3A_299 : vector<1x1x16xf32> to vector<16xf32>
        %swap3A_301 = arith.constant 6 : i32
        %swap3A_302 = arith.index_cast %swap3A_301 : i32 to index
        %swap3A_303 = arith.index_cast %add3A_270 : i32 to index
        %swap3A_304 = arith.constant 32 : index
        %swap3A_305 = tpu.vector_load %arg9[%swap3A_302, %swap3A_303, %swap3A_304] {strides = array<i32>} : memref<8x50x64xf32, #tpu.memory_space<vmem>>, vector<1x1x16xf32>,
        %swap3A_306 = vector.shape_cast %swap3A_305 : vector<1x1x16xf32> to vector<16xf32>
        %swap3A_307 = vector.shape_cast %get3A_300 : vector<16xf32> to vector<1x1x16xf32>
        tpu.vector_store %arg9[%swap3A_302, %swap3A_303, %swap3A_304], %swap3A_307 {strides = array<i32>} : memref<8x50x64xf32, #tpu.memory_space<vmem>>, vector<1x1x16xf32>,
        %get3A_308 = arith.constant 2 : i32
        %get3A_309 = arith.index_cast %get3A_308 : i32 to index
        %get3A_310 = arith.index_cast %add3A_270 : i32 to index
        %get3A_311 = arith.constant 48 : index
        %get3A_312 = tpu.vector_load %arg8[%get3A_309, %get3A_310, %get3A_311] {strides = array<i32>} : memref<4x50x128xf32, #tpu.memory_space<vmem>>, vector<1x1x16xf32>,
        %get3A_313 = vector.shape_cast %get3A_312 : vector<1x1x16xf32> to vector<16xf32>
        %swap3A_314 = arith.constant 6 : i32
        %swap3A_315 = arith.index_cast %swap3A_314 : i32 to index
        %swap3A_316 = arith.index_cast %add3A_270 : i32 to index
        %swap3A_317 = arith.constant 48 : index
        %swap3A_318 = tpu.vector_load %arg9[%swap3A_315, %swap3A_316, %swap3A_317] {strides = array<i32>} : memref<8x50x64xf32, #tpu.memory_space<vmem>>, vector<1x1x16xf32>,
        %swap3A_319 = vector.shape_cast %swap3A_318 : vector<1x1x16xf32> to vector<16xf32>
        %swap3A_320 = vector.shape_cast %get3A_313 : vector<16xf32> to vector<1x1x16xf32>
        tpu.vector_store %arg9[%swap3A_315, %swap3A_316, %swap3A_317], %swap3A_320 {strides = array<i32>} : memref<8x50x64xf32, #tpu.memory_space<vmem>>, vector<1x1x16xf32>,
      }
      %scan3A_249 = arith.constant 50 : i32
      %scan3A_250 = arith.constant 0 : i32
      %scan3A_251 = arith.constant 50 : i32
      %scan3A_252 = arith.addi %scan3A_250, %scan3A_251 : i32
      %scan3A_253 = arith.constant 1 : i32
      scf.for %scan3A_266 = %scan3A_250 to %scan3A_252 step %scan3A_253  : i32 {
        %mul3A_267 = arith.constant 1 : i32
        %mul3A_268 = arith.muli %scan3A_266, %mul3A_267 : i32
        %add3A_269 = arith.constant 0 : i32
        %add3A_270 = arith.addi %add3A_269, %mul3A_268 : i32
        %get3A = arith.constant 3 : i32
        %get3A_271 = arith.index_cast %get3A : i32 to index
        %get3A_272 = arith.index_cast %add3A_270 : i32 to index
        %get3A_273 = arith.constant 0 : index
        %get3A_274 = tpu.vector_load %arg8[%get3A_271, %get3A_272, %get3A_273] {strides = array<i32>} : memref<4x50x128xf32, #tpu.memory_space<vmem>>, vector<1x1x16xf32>,
        %get3A_275 = vector.shape_cast %get3A_274 : vector<1x1x16xf32> to vector<16xf32>
        %swap3A = arith.constant 7 : i32
        %swap3A_276 = arith.index_cast %swap3A : i32 to index
        %swap3A_277 = arith.index_cast %add3A_270 : i32 to index
        %swap3A_278 = arith.constant 0 : index
        %swap3A_279 = tpu.vector_load %arg9[%swap3A_276, %swap3A_277, %swap3A_278] {strides = array<i32>} : memref<8x50x64xf32, #tpu.memory_space<vmem>>, vector<1x1x16xf32>,
        %swap3A_280 = vector.shape_cast %swap3A_279 : vector<1x1x16xf32> to vector<16xf32>
        %swap3A_281 = vector.shape_cast %get3A_275 : vector<16xf32> to vector<1x1x16xf32>
        tpu.vector_store %arg9[%swap3A_276, %swap3A_277, %swap3A_278], %swap3A_281 {strides = array<i32>} : memref<8x50x64xf32, #tpu.memory_space<vmem>>, vector<1x1x16xf32>,
        %get3A_282 = arith.constant 3 : i32
        %get3A_283 = arith.index_cast %get3A_282 : i32 to index
        %get3A_284 = arith.index_cast %add3A_270 : i32 to index
        %get3A_285 = arith.constant 16 : index
        %get3A_286 = tpu.vector_load %arg8[%get3A_283, %get3A_284, %get3A_285] {strides = array<i32>} : memref<4x50x128xf32, #tpu.memory_space<vmem>>, vector<1x1x16xf32>,
        %get3A_287 = vector.shape_cast %get3A_286 : vector<1x1x16xf32> to vector<16xf32>
        %swap3A_288 = arith.constant 7 : i32
        %swap3A_289 = arith.index_cast %swap3A_288 : i32 to index
        %swap3A_290 = arith.index_cast %add3A_270 : i32 to index
        %swap3A_291 = arith.constant 16 : index
        %swap3A_292 = tpu.vector_load %arg9[%swap3A_289, %swap3A_290, %swap3A_291] {strides = array<i32>} : memref<8x50x64xf32, #tpu.memory_space<vmem>>, vector<1x1x16xf32>,
        %swap3A_293 = vector.shape_cast %swap3A_292 : vector<1x1x16xf32> to vector<16xf32>
        %swap3A_294 = vector.shape_cast %get3A_287 : vector<16xf32> to vector<1x1x16xf32>
        tpu.vector_store %arg9[%swap3A_289, %swap3A_290, %swap3A_291], %swap3A_294 {strides = array<i32>} : memref<8x50x64xf32, #tpu.memory_space<vmem>>, vector<1x1x16xf32>,
        %get3A_295 = arith.constant 3 : i32
        %get3A_296 = arith.index_cast %get3A_295 : i32 to index
        %get3A_297 = arith.index_cast %add3A_270 : i32 to index
        %get3A_298 = arith.constant 32 : index
        %get3A_299 = tpu.vector_load %arg8[%get3A_296, %get3A_297, %get3A_298] {strides = array<i32>} : memref<4x50x128xf32, #tpu.memory_space<vmem>>, vector<1x1x16xf32>,
        %get3A_300 = vector.shape_cast %get3A_299 : vector<1x1x16xf32> to vector<16xf32>
        %swap3A_301 = arith.constant 7 : i32
        %swap3A_302 = arith.index_cast %swap3A_301 : i32 to index
        %swap3A_303 = arith.index_cast %add3A_270 : i32 to index
        %swap3A_304 = arith.constant 32 : index
        %swap3A_305 = tpu.vector_load %arg9[%swap3A_302, %swap3A_303, %swap3A_304] {strides = array<i32>} : memref<8x50x64xf32, #tpu.memory_space<vmem>>, vector<1x1x16xf32>,
        %swap3A_306 = vector.shape_cast %swap3A_305 : vector<1x1x16xf32> to vector<16xf32>
        %swap3A_307 = vector.shape_cast %get3A_300 : vector<16xf32> to vector<1x1x16xf32>
        tpu.vector_store %arg9[%swap3A_302, %swap3A_303, %swap3A_304], %swap3A_307 {strides = array<i32>} : memref<8x50x64xf32, #tpu.memory_space<vmem>>, vector<1x1x16xf32>,
        %get3A_308 = arith.constant 3 : i32
        %get3A_309 = arith.index_cast %get3A_308 : i32 to index
        %get3A_310 = arith.index_cast %add3A_270 : i32 to index
        %get3A_311 = arith.constant 48 : index
        %get3A_312 = tpu.vector_load %arg8[%get3A_309, %get3A_310, %get3A_311] {strides = array<i32>} : memref<4x50x128xf32, #tpu.memory_space<vmem>>, vector<1x1x16xf32>,
        %get3A_313 = vector.shape_cast %get3A_312 : vector<1x1x16xf32> to vector<16xf32>
        %swap3A_314 = arith.constant 7 : i32
        %swap3A_315 = arith.index_cast %swap3A_314 : i32 to index
        %swap3A_316 = arith.index_cast %add3A_270 : i32 to index
        %swap3A_317 = arith.constant 48 : index
        %swap3A_318 = tpu.vector_load %arg9[%swap3A_315, %swap3A_316, %swap3A_317] {strides = array<i32>} : memref<8x50x64xf32, #tpu.memory_space<vmem>>, vector<1x1x16xf32>,
        %swap3A_319 = vector.shape_cast %swap3A_318 : vector<1x1x16xf32> to vector<16xf32>
        %swap3A_320 = vector.shape_cast %get3A_313 : vector<16xf32> to vector<1x1x16xf32>
        tpu.vector_store %arg9[%swap3A_315, %swap3A_316, %swap3A_317], %swap3A_320 {strides = array<i32>} : memref<8x50x64xf32, #tpu.memory_space<vmem>>, vector<1x1x16xf32>,
      }
      %scan3A_254 = arith.constant 50 : i32
      %mul3A_255 = arith.constant 2 : i32
      %mul3A_256 = arith.muli %add3A_81, %mul3A_255 : i32
      %mul3A_257 = arith.constant 4 : i32
      %mul3A_258 = arith.muli %mul3A_256, %mul3A_257 : i32
      %add3A_259 = arith.addi %mul3A_2, %mul3A_258 : i32
      %dma_start3A_260 = arith.constant 0 : i32
      %dma_start3A_261 = arith.constant 0 : i32
      %dma_start3A_262 = tpu.memref_slice %arg4[%add3A_259, %dma_start3A_260, %dma_start3A_261] : memref<16384x50x64xf32, #tpu.memory_space<hbm>> -> memref<8x50x64xf32, #tpu.memory_space<hbm>>
      %dma_start3A_263 = arith.constant 0 : i32
      %dma_start3A_264 = arith.constant 0 : i32
      %dma_start3A_265 = tpu.memref_slice %arg4[%add3A_259, %dma_start3A_263, %dma_start3A_264] : memref<16384x50x64xf32, #tpu.memory_space<hbm>> -> memref<8x50x64xf32, #tpu.memory_space<hbm>>
      tpu.enqueue_dma source(%arg9 : memref<8x50x64xf32, #tpu.memory_space<vmem>>) target(%dma_start3A_265 : memref<8x50x64xf32, #tpu.memory_space<hbm>>) target_semaphore(%arg14 : memref<!tpu.dma_semaphore, #tpu.memory_space<semaphore_mem>>)
    }
    %scan3A_70 = arith.constant 64 : i32
    %dma_wait3A_71 = arith.constant 0 : i32
    %dma_wait3A_72 = arith.constant 0 : i32
    %dma_wait3A_73 = tpu.memref_slice %arg4[%mul3A_2, %dma_wait3A_71, %dma_wait3A_72] : memref<16384x50x64xf32, #tpu.memory_space<hbm>> -> memref<8x50x64xf32, #tpu.memory_space<hbm>>
    %dma_wait3A_74 = arith.constant 0 : i32
    %dma_wait3A_75 = arith.constant 0 : i32
    %dma_wait3A_76 = tpu.memref_slice %arg4[%mul3A_2, %dma_wait3A_74, %dma_wait3A_75] : memref<16384x50x64xf32, #tpu.memory_space<hbm>> -> memref<8x50x64xf32, #tpu.memory_space<hbm>>
    tpu.wait_dma2 semaphore(%arg14 : memref<!tpu.dma_semaphore, #tpu.memory_space<semaphore_mem>>) src(%arg9 : memref<8x50x64xf32, #tpu.memory_space<vmem>>) dst(%dma_wait3A_76 : memref<8x50x64xf32, #tpu.memory_space<hbm>>)
    return
  }
}

</mosaic_0001>

<sc_bundles>
// kernel: kernel.3.cloned.1.call-start
scs
__scs_entry_jumppad:
0x0: {  	(pc) =	sbr.rel $0x88, $3  }
0x1: {  	(tag) =	ssettag $0x0;
	lr =	simm.s32 $0x1  }
0x2: {  	[smem:$0x3F9F] =	sst lr;
	_ =	strace $0xD0000000  }
0x3: {  	_ = 	snop  }
0x4: {  	_ = 	snop  }
0x5: {  	_ = 	snop  }
0x6: {  	_ = 	snop  }
0x7: {  	_ = 	snop  }
__scs_overlays_trampoline_lowered:
0x8: {  	[smem:$0x3FAE] =	sst s0  }
0x9: {  	[smem:$0x3FAF] =	sst s1  }
0xa: {  	[smem:$0x3FB0] =	sst s2  }
0xb: {  	[smem:$0x3FB1] =	sst s3  }
0xc: {  	[smem:$0x3FB2] =	sst s4  }
0xd: {  	[smem:$0x3FB3] =	sst s5  }
0xe: {  	[smem:$0x3FB4] =	sst s6  }
0xf: {  	[smem:$0x3FB5] =	sst s7  }
0x10: {  	[smem:$0x3FB6] =	sst s8  }
0x11: {  	[smem:$0x3FB7] =	sst s9;
	s0 =	simm.s32 @!p0 $0x0  }
0x12: {  	s1 =	sld [smem:$0x3F9D];
	s0 =	simm.s32 @p0 $0x1  }
0x13: {  	[smem:$0x3FB8] =	sst s0;
	s0 =	simm.s32 @!p1 $0x0  }
0x14: {  	s2 =	sld [smem:$0x3F9C];
	s0 =	simm.s32 @p1 $0x1  }
0x15: {  	[smem:$0x3FB9] =	sst s0;
	s0 =	simm.s32 @!p2 $0x0  }
0x16: {  	s3 =	sld [smem:$0x3FDB];
	s0 =	simm.s32 @p2 $0x1  }
0x17: {  	s4 =	simm.s32 $0x1BF5;
	[smem:$0x3FBB] =	sst s0  }
0x18: {  	s0 =	sld [smem:$0x3F9E];
	_ =	swait.ge [sflag:s4], $0x0  }
0x19: {  	s7 =	sld [smem:$0x3F9F]  }
0x1a: {  	s8 =	sadd.s32 $0xFFFFE003, lr  }
0x1b: {  	s9 =	sadd.s32 $0xFFFFFEF7, lr;
	s5 =	simm.s32 $0xFFFFFFFF;
	p2 =	slt.u32 s8, $0xFFFFF086  }
0x1c: {  	p1 =	slt.u32 s9, $0xF7A;
	s5 =	simm.s32 @!p2 $0x0  }
0x1d: {  	s5 =	simm.s32 @p1 $0x1;
	p0 =	seq.s32 s7, s2  }
0x1e: {  	s7 =	smul.u32 @!p0 $0xF7A, s2;
	p2 =	seq.s32 @!p0 s5, $0x0  }
0x1f: {  	s9 =	smul.u32 $0xF7A, s1;
	s8 =	simm.s32 @!p0 $0x1BF5;
	p2 =	por !p2, p0  }
0x20: {  	[sflag:s8] =	ssyncset.s32 @!p0 $0xFFFFF086;
	s6 =	sadd.s32 @!p0 s3, s7;
	s7 =	simm.s32 @!p0 $0x108  }
0x21: {  	s3 =	sadd.s32 s3, s9;
	s6 =	sadd.s32 @!p0 $0x88, s6;
	s7 =	simm.s32 @p2 $0x1082  }
0x22: {  	[simem:s7], [sflag:s8] =	dma.local @!p0 [hbm:s6], $0xF7A  }
0x23: {  	s9 =	sor.u32 $0xD0000000, s2;
	s6 =	simm.s32 $0x108;
	_ =	swait.ge @!p0 [sflag:s8], $0x0  }
0x24: {  	s3 =	sadd.s32 $0x88, s3;
	s6 =	simm.s32 @!p1 $0x1082;
	[sflag:s4] =	ssyncset.s32 $0xFFFFF086  }
0x25: {  	[simem:s6], [sflag:s4] =	dma.local [hbm:s3], $0xF7A  }
0x26: {  	[smem:$0x3F9F] =	sst s1;
	(tag) =	ssettag s2;
	_ =	strace s9  }
0x27: {  	s1 =	sld [smem:$0x3FAF]  }
0x28: {  	s2 =	sld [smem:$0x3FB0]  }
0x29: {  	s4 =	sld [smem:$0x3FB2]  }
0x2a: {  	p0 =	seq.s32 s5, $0x0;
	s5 =	sld [smem:$0x3FB3]  }
0x2b: {  	s6 =	sld [smem:$0x3FB4]  }
0x2c: {  	s7 =	sld [smem:$0x3FB5]  }
0x2d: {  	s3 =	simm.s32 $0x108;
	s8 =	sld [smem:$0x3FB6]  }
0x2e: {  	s3 =	simm.s32 @!p0 $0x1082;
	s9 =	sld [smem:$0x3FB7]  }
0x2f: {  	lr =	sadd.s32 s0, s3;
	s0 =	sld [smem:$0x3FAE]  }
0x30: {  	s3 =	sld [smem:$0x3FB1]  }
0x31: {  	[smem:$0x3FBA] =	sst s10  }
0x32: {  	s10 =	sld [smem:$0x3FB8];
	_ =	sdelay $0x3  }
0x33: {  	p0 =	seq.s32 s10, $0x1;
	s10 =	sld [smem:$0x3FBA];
	_ =	sdelay $0x3  }
0x34: {  	[smem:$0x3FBA] =	sst s10  }
0x35: {  	s10 =	sld [smem:$0x3FB9];
	_ =	sdelay $0x3  }
0x36: {  	p1 =	seq.s32 s10, $0x1;
	s10 =	sld [smem:$0x3FBA];
	_ =	sdelay $0x3  }
0x37: {  	[smem:$0x3FBA] =	sst s10  }
0x38: {  	s10 =	sld [smem:$0x3FBB]  }
0x39: {  	_ = 	snop;
	(pc) =	sbr.ind lr, $3  }
0x3a: {  	_ = 	snop  }
0x3b: {  	_ = 	snop  }
0x3c: {  	p2 =	seq.s32 s10, $0x1;
	s10 =	sld [smem:$0x3FBA]  }
0x3d: {  	_ =	shalt  }
0x3e: {  	_ =	shalt  }
0x3f: {  	_ =	shalt  }
0x40: {  	_ =	shalt  }
0x41: {  	_ =	shalt  }
0x42: {  	_ =	shalt  }
0x43: {  	_ =	shalt  }
0x44: {  	_ =	shalt  }
0x45: {  	_ =	shalt  }
0x46: {  	_ =	shalt  }
0x47: {  	_ =	shalt  }
0x48: {  	_ =	shalt  }
0x49: {  	_ =	shalt  }
0x4a: {  	_ =	shalt  }
0x4b: {  	_ =	shalt  }
0x4c: {  	_ =	shalt  }
0x4d: {  	_ =	shalt  }
0x4e: {  	_ =	shalt  }
0x4f: {  	_ =	shalt  }
0x50: {  	_ =	shalt  }
0x51: {  	_ =	shalt  }
0x52: {  	_ =	shalt  }
0x53: {  	_ =	shalt  }
0x54: {  	_ =	shalt  }
0x55: {  	_ =	shalt  }
0x56: {  	_ =	shalt  }
0x57: {  	_ =	shalt  }
0x58: {  	_ =	shalt  }
0x59: {  	_ =	shalt  }
0x5a: {  	_ =	shalt  }
0x5b: {  	_ =	shalt  }
0x5c: {  	_ =	shalt  }
0x5d: {  	_ =	shalt  }
0x5e: {  	_ =	shalt  }
0x5f: {  	_ =	shalt  }
0x60: {  	_ =	shalt  }
0x61: {  	_ =	shalt  }
0x62: {  	_ =	shalt  }
0x63: {  	_ =	shalt  }
0x64: {  	_ =	shalt  }
0x65: {  	_ =	shalt  }
0x66: {  	_ =	shalt  }
0x67: {  	_ =	shalt  }
0x68: {  	_ =	shalt  }
0x69: {  	_ =	shalt  }
0x6a: {  	_ =	shalt  }
0x6b: {  	_ =	shalt  }
0x6c: {  	_ =	shalt  }
0x6d: {  	_ =	shalt  }
0x6e: {  	_ =	shalt  }
0x6f: {  	_ =	shalt  }
0x70: {  	_ =	shalt  }
0x71: {  	_ =	shalt  }
0x72: {  	_ =	shalt  }
0x73: {  	_ =	shalt  }
0x74: {  	_ =	shalt  }
0x75: {  	_ =	shalt  }
0x76: {  	_ =	shalt  }
0x77: {  	_ =	shalt  }
0x78: {  	_ =	shalt  }
0x79: {  	_ =	shalt  }
0x7a: {  	_ =	shalt  }
0x7b: {  	_ =	shalt  }
0x7c: {  	_ =	shalt  }
0x7d: {  	_ =	shalt  }
0x7e: {  	_ =	shalt  }
0x7f: {  	_ =	shalt  }
0x80: {  	_ =	shalt  }
0x81: {  	_ =	shalt  }
0x82: {  	_ =	shalt  }
0x83: {  	_ =	shalt  }
0x84: {  	_ =	shalt  }
0x85: {  	_ =	shalt  }
0x86: {  	_ =	shalt  }
0x87: {  	_ =	shalt  }
.Lfunc_end0:
.L_simem_size_0:
called_computation_lowered:
.L_overlay_start_0:
0x88: {  	s2 =	sld [smem:$0x3FD9]  }
0x89: {  	s3 =	sld [smem:$0x3FFE];
	_ =	sdelay $0x1  }
0x8a: {  	s1 =	srdreg.scid  }
0x8b: {  	s0 =	sand.u32 $0x1, s1  }
0x8c: {  	s17 =	sshll.u32 s0, $0xA;
	s2 =	sadd.s32 s3, s2  }
0x8d: {  	s2 =	sadd.s32 s2, s17  }
0x8e: {  	[smem:$0x3FC6] =	sst s2  }
0x8f: {  	_ = 	snop  }
0x90: {  	s2 =	sld [smem:$0x3FD0];
	(tm) =	ssettm $0x1  }
0x91: {  	s18 =	sld [smem:$0x3FFB];
	_ =	sdelay $0x3  }
0x92: {  	_ =	strace s18  }
0x93: {  	s3 =	sld [smem:$0x3FFC];
	_ =	sdelay $0x3  }
0x94: {  	_ =	strace s3  }
0x95: {  	s3 =	sld [smem:$0x3FFD];
	_ =	sdelay $0x3  }
0x96: {  	_ =	strace s3  }
0x97: {  	_ =	strace $0x8FFFFFFF  }
0x98: {  	s19 =	sld [smem:$0x3FDB];
	_ =	sdelay $0x1  }
0x99: {  	s4 =	simm.s32 $_scs_section_size  }
0x9a: {  	s5 =	simm.s32 $_size__tile_overlayer_lowered;
	s6 =	simm.s32 $_tile_overlayer_lowered  }
0x9b: {  	s22 =	simm.s32 $0x1BFF;
	s21 =	sshll.u32 s6, $0x1;
	s3 =	sadd.s32 s4, s19  }
0x9c: {  	s7 =	simm.s32 $0x0;
	s20 =	sshll.u32 s5, $0x1;
	s5 =	sadd.s32 s21, s3  }
0x9d: {  	[timem:s7], [sflag:s22] =	dma.local [hbm:s5], s20  }
0x9e: {  	_ =	swait.ge [sflag:s22], s20  }
0x9f: {  	s4 =	ssub.s32 $0x0, s20;
	[sflag:s22] =	ssyncset.done $0x0  }
0xa0: {  	[sflag:s22] =	ssyncadd.s32 s4;
	_ =	sdelay $0x1  }
0xa1: {  	s23 =	simm.s32 $0x1B8B  }
0xa2: {  	_ =	swait.ge [sflag:s23], $0x1  }
0xa3: {  	[sflag:s23] =	ssyncset.done $0x0  }
0xa4: {  	s25 =	simm.s32 $0x1B8E;
	s24 =	sld [smem:$0x3FFE];
	[sflag:s23] =	ssyncadd.s32 $0xFFFFFFFF  }
0xa5: {  	s26 =	simm.s32 $execute0_lowered;
	[smem:$0x3FD2] =	sst s25  }
0xa6: {  	s5 =	sshll.u32 s26, $0x1;
	_ =	strace $0x80000046;
	[dreg:$0x1] =	wrdreg $0xFFFFFFFF  }
0xa7: {  	s28 =	simm.s32 $_size_execute0_lowered;
	s3 =	sadd.s32 s3, s5;
	[dreg:$0x0] =	wrdreg $0x0  }
0xa8: {  	s5 =	sshll.u32 s28, $0x1;
	[dreg:$0x2] =	wrdreg s3  }
0xa9: {  	[dreg:$0x3] =	wrdreg s5  }
0xaa: {  	[dreg:$0x4] =	wrdreg $0xC0  }
0xab: {  	_ =	task [dreg:s7], $0x5FFFF  }
0xac: {  	[dreg:$0x1] =	wrdreg $0xFFFFFFFF  }
0xad: {  	[dreg:$0x0] =	wrdreg $0x60  }
0xae: {  	[dreg:$0x2] =	wrdreg s24  }
0xaf: {  	[dreg:$0x3] =	wrdreg s2  }
0xb0: {  	[dreg:$0x4] =	wrdreg $0x9  }
0xb1: {  	_ =	task.clear_ibuf [dreg:s7], $0x5FFFF;
	_ =	strace $0x90000046  }
0xb2: {  	s29 =	simm.s32 $0x9;
	_ =	strace $0x80000048  }
0xb3: {  	_ =	swait.ge [sflag:s29], $0x1  }
0xb4: {  	[sflag:s29] =	ssyncadd.s32 $0xFFFFFFFF  }
0xb5: {  	_ =	strace $0x90000048  }
0xb6: {  	_ =	sfence  }
0xb7: {  	s30 =	sld [smem:$0x0];
	_ =	sdelay $0x2  }
0xb8: {  	s31 =	sshll.u32 s1, $0xD;
	s1 =	sshrl.u32 s1, $0x2  }
0xb9: {  	s3 =	sand.u32 $0x4000, s31;
	s1 =	sadd.s32 s1, s30  }
0xba: {  	s0 =	sor.u32 s3, s0;
	s1 =	sshll.u32 s1, $0x11  }
0xbb: {  	s0 =	sor.u32 s1, s0  }
0xbc: {  	s0 =	sadd.s32 $0x8F2B, s0  }
0xbd: {  	[sflag:s0] =	ssyncadd.remote.s32 $0x1  }
0xbe: {  	_ =	sfence.sel $0xFFFF  }
0xbf: {  	[dreg:$0x0] =	wrdreg $0xFFFFFFFF;
	(pc) =	sbr.abs _section_cstart, $3  }
0xc0: {  	[dreg:$0x1] =	wrdreg $0xFFFFFFFF  }
0xc1: {  	_ =	task.clear_ibuf [dreg:s7], $0x2FFFF;
	_ =	strace $0x9FFFFFFF  }
0xc2: {  	(tm) =	ssettm $0x7FFFFFFF  }
0xc3: {  	_ =	shalt  }
tec
execute0_lowered:
.L_overlay_start_1:
0x0: {  	(tag) =	ssettag $0x1  }
0x1: {  	s0 =	rddreg [dreg:$0x0]  }
0x2: {  	s1 =	rddreg [dreg:$0x1];
	s2 =	srdreg.scid  }
0x3: {  	s3 =	stileid.u32;
	s11 =	simm.s32 $0x200;
	s13 =	simm.s32 $0x32  }
0x4: {  	s21 =	simm.s32 $0x2;
	s28 =	simm.s32 $0x380;
	s29 =	simm.s32 $0xC800  }
0x5: {  	s30 =	simm.s32 $0x3;
	s31 =	simm.s32 $0x4;
	s14 =	simm.s32 $0x11C00  }
0x6: {  	s15 =	simm.s32 $0x13800;
	s16 =	simm.s32 $0x15400;
	s17 =	simm.s32 $0x17000  }
0x7: {  	s18 =	simm.s32 $0x18C00;
	s19 =	simm.s32 $0x1A800;
	s20 =	simm.s32 $0x5  }
0x8: {  	s4 =	sand.u32 $0x1, s2;
	s2 =	simm.s32 $0x0;
	s3 =	sshll.u32 s3, $0xA  }
0x9: {  	s5 =	sshll.u32 s4, $0x9;
	[smem:$0x7FF] =	sst s2;
	s24 =	ssub.s32 $0x2, s4  }
0xa: {  	s4 =	sadd.s32 $0xF42A00, s0;
	s3 =	sor.u32 s5, s3;
	s7 =	sshrl.u32 s24, $0x1  }
0xb: {  	_ =	strace $0x80000047;
	s6 =	sshll.u32 s3, $0x4;
	s25 =	ssub.s32 s24, s7  }
0xc: {  	s24 =	simm.s32 $0x9000;
	s7 =	simm.s32 $0x0;
	s1 =	sadd.s32 s1, s6  }
0xd: {  	s6 =	sadd.s32 $0x600, s0;
	s0 =	smax.u32 s25, $0x1;
	s25 =	simm.s32 $0x300  }
0xe: {  	s26 =	sadd.s32 $0x40, s1;
	s8 =	sadd.s32 $0x80, s1;
	[dreg:$0x3] =	wrdreg s1  }
0xf: {  	s9 =	sadd.s32 $0xC0, s1;
	[dreg:$0x5] =	wrdreg s0;
	s0 =	simm.s32 $0xE400  }
0x10: {  	s1 =	simm.s32 $0x10000;
	[dreg:$0x4] =	wrdreg s26;
	s26 =	simm.s32 $0xAC00  }
.LBB2_1:
0x11: {  	[dreg:$0x6] =	wrdreg s7  }
0x12: {  	s5 =	rddreg [dreg:$0x3]  }
0x13: {  	[tilespmem:s2], [sflag:$0x1] =	stream.linear.gather [hbm4b:s5+s2], $0x200, $0x38;
	[tilespmem:$0x1C400] =	vst v63  }
0x14: {  	s7 =	rddreg [dreg:$0x4];
	s10 =	simm.s32 $0x1  }
0x15: {  	[tilespmem:s11], [sflag:$0x2] =	stream.linear.gather [hbm4b:s7+s2], $0x200, $0x38;
	[tilespmem:$0x1C400] =	vst v63  }
0x16: {  	_ =	swait.ge [sflag:s10], $0x200  }
0x17: {  	[sflag:s10] =	ssyncset.done $0x0  }
0x18: {  	s12 =	simm.s32 $0x400;
	[sflag:s10] =	ssyncadd.s32 $0xFFFFFE00  }
0x19: {  	[tilespmem:s12], [sflag:$0x3] =	stream.indirect.gather [hbm4b:s4+s13], $0x80, s2, s13, $0xb8;
	[tilespmem:$0x1C400] =	vst v63  }
0x1a: {  	s22 =	simm.s32 $0x80;
	s23 =	simm.s32 $0x2000  }
0x1b: {  	[tilespmem:s23], [sflag:$0x3] =	stream.indirect.gather [hbm4b:s4+s13], $0x80, s22, s13, $0xb8;
	[tilespmem:$0x1C400] =	vst v63  }
0x1c: {  	s10 =	simm.s32 $0x100;
	s12 =	simm.s32 $0x3C00  }
0x1d: {  	[tilespmem:s12], [sflag:$0x3] =	stream.indirect.gather [hbm4b:s4+s13], $0x80, s10, s13, $0xb8;
	[tilespmem:$0x1C400] =	vst v63  }
0x1e: {  	s22 =	simm.s32 $0x180;
	s23 =	simm.s32 $0x5800;
	s10 =	simm.s32 $0x0  }
0x1f: {  	[tilespmem:s23], [sflag:$0x3] =	stream.indirect.gather [hbm4b:s4+s13], $0x80, s22, s13, $0xb8;
	[tilespmem:$0x1C400] =	vst v63  }
.LBB2_2:
0x20: {  	_ =	swait.ge [sflag:s21], $0x200  }
0x21: {  	[sflag:s21] =	ssyncset.done $0x0  }
0x22: {  	s5 =	simm.s32 $0x7400;
	[sflag:s21] =	ssyncadd.s32 $0xFFFFFE00  }
0x23: {  	[tilespmem:s5], [sflag:$0x4] =	stream.indirect.gather [hbm4b:s4+s13], $0x80, s11, s13, $0xb8;
	[tilespmem:$0x1C400] =	vst v63  }
0x24: {  	s23 =	simm.s32 $0x280  }
0x25: {  	[tilespmem:s24], [sflag:$0x4] =	stream.indirect.gather [hbm4b:s4+s13], $0x80, s23, s13, $0xb8;
	[tilespmem:$0x1C400] =	vst v63  }
0x26: {  	_ = 	snop  }
0x27: {  	[tilespmem:s26], [sflag:$0x4] =	stream.indirect.gather [hbm4b:s4+s13], $0x80, s25, s13, $0xb8;
	[tilespmem:$0x1C400] =	vst v63  }
0x28: {  	_ = 	snop  }
0x29: {  	[tilespmem:s29], [sflag:$0x4] =	stream.indirect.gather [hbm4b:s4+s13], $0x80, s28, s13, $0xb8;
	[tilespmem:$0x1C400] =	vst v63  }
0x2a: {  	_ =	swait.ge [sflag:s30], $0x1900  }
0x2b: {  	[sflag:s30] =	ssyncset.done $0x0  }
0x2c: {  	[sflag:s30] =	ssyncadd.s32 $0xFFFFE700  }
0x2d: {  	_ =	swait.ge [sflag:s30], $0x1900  }
0x2e: {  	[sflag:s30] =	ssyncset.done $0x0  }
0x2f: {  	[sflag:s30] =	ssyncadd.s32 $0xFFFFE700  }
0x30: {  	_ =	swait.ge [sflag:s30], $0x1900  }
0x31: {  	[sflag:s30] =	ssyncset.done $0x0  }
0x32: {  	p0 =	seq.s32 s10, $0x3F;
	[sflag:s30] =	ssyncadd.s32 $0xFFFFE700  }
0x33: {  	s12 =	simm.s32 @!p0 $0x0;
	_ =	swait.ge [sflag:s30], $0x1900  }
0x34: {  	p1 =	seq.s32 @!p0 s10, $0x0;
	s5 =	sshll.u32 s10, $0x7;
	[sflag:s30] =	ssyncset.done $0x0  }
0x35: {  	p1 =	por p0, !p1;
	s7 =	sadd.s32 @!p0 s5, s8;
	[sflag:s30] =	ssyncadd.s32 $0xFFFFE700  }
0x36: {  	[tilespmem:s12], [sflag:$0x1] =	stream.linear.gather @!p0 [hbm4b:s7+s12], $0x200, $0x38;
	[tilespmem:$0x1C400] =	vst v63  }
0x37: {  	_ =	swait.ge @p1 [sflag:s20], $0xC800  }
0x38: {  	[sflag:s20] =	ssyncset.done @p1 $0x0  }
0x39: {  	s12 =	simm.s32 $0x0;
	[sflag:s20] =	ssyncadd.s32 @p1 $0xFFFF3800  }
0x3a: {  	v0 =	vld [tilespmem:s12+$0x430]  }
0x3b: {  	v1 =	vld [tilespmem:s12+$0x400]  }
0x3c: {  	v2 =	vld [tilespmem:s12+$0x410]  }
0x3d: {  	s22 =	simm.s32 $0x200;
	s7 =	simm.s32 $0x0;
	v3 =	vld [tilespmem:s12+$0x420]  }
.LBB2_3:
0x3e: {  	p1 =	sne.s32 s22, $0x6200  }
.Ltmp0:
0x3f: {  	s23 =	sshra.s32 s22, $0x2;
	s22 =	sadd.s32 $0x200, s22;
	[tilespmem:s7+$0xE430] =	vst v0;
	(pc) =	sbr.rel @p1 .LBB2_3-.Ltmp0, $4  }
0x40: {  	v0 =	vld [tilespmem:s23+$0x430];
	[tilespmem:s7+$0xE400] =	vst v1  }
0x41: {  	v1 =	vld [tilespmem:s23+$0x400];
	[tilespmem:s7+$0xE410] =	vst v2  }
0x42: {  	v2 =	vld [tilespmem:s23+$0x410];
	[tilespmem:s7+$0xE420] =	vst v3;
	s7 =	smov.u32 s23  }
0x43: {  	v3 =	vld [tilespmem:s7+$0x420]  }
0x44: {  	_ = 	snop  }
0x45: {  	[tilespmem:s7+$0xE430] =	vst v0  }
0x46: {  	[tilespmem:s7+$0xE400] =	vst v1  }
0x47: {  	[tilespmem:s7+$0xE410] =	vst v2  }
0x48: {  	[tilespmem:s7+$0xE420] =	vst v3  }
0x49: {  	v0 =	vld [tilespmem:s12+$0x2030]  }
0x4a: {  	v1 =	vld [tilespmem:s12+$0x2000]  }
0x4b: {  	v2 =	vld [tilespmem:s12+$0x2010]  }
0x4c: {  	v3 =	vld [tilespmem:s12+$0x2020]  }
0x4d: {  	s7 =	simm.s32 $0x200  }
.LBB2_5:
0x4e: {  	s22 =	sshra.s32 s7, $0x2;
	p1 =	sne.s32 s7, $0x6200;
	s7 =	sadd.s32 $0x200, s7;
	[tilespmem:s12+$0x10030] =	vst v0  }
.Ltmp1:
0x4f: {  	v0 =	vld [tilespmem:s22+$0x2030];
	[tilespmem:s12+$0x10000] =	vst v1;
	(pc) =	sbr.rel @p1 .LBB2_5-.Ltmp1, $3  }
0x50: {  	v1 =	vld [tilespmem:s22+$0x2000];
	[tilespmem:s12+$0x10010] =	vst v2  }
0x51: {  	v2 =	vld [tilespmem:s22+$0x2010];
	[tilespmem:s12+$0x10020] =	vst v3;
	s12 =	smov.u32 s22  }
0x52: {  	v3 =	vld [tilespmem:s12+$0x2020];
	_ =	sdelay $0x1  }
0x53: {  	[tilespmem:s12+$0x10030] =	vst v0  }
0x54: {  	[tilespmem:s12+$0x10000] =	vst v1  }
0x55: {  	[tilespmem:s12+$0x10010] =	vst v2  }
0x56: {  	[tilespmem:s12+$0x10020] =	vst v3;
	s12 =	simm.s32 $0x0  }
0x57: {  	v0 =	vld [tilespmem:s12+$0x3C30]  }
0x58: {  	v1 =	vld [tilespmem:s12+$0x3C00]  }
0x59: {  	v2 =	vld [tilespmem:s12+$0x3C10]  }
0x5a: {  	s22 =	simm.s32 $0x200;
	s7 =	simm.s32 $0x0;
	v3 =	vld [tilespmem:s12+$0x3C20]  }
.LBB2_7:
0x5b: {  	p1 =	sne.s32 s22, $0x6200  }
.Ltmp2:
0x5c: {  	s23 =	sshra.s32 s22, $0x2;
	s22 =	sadd.s32 $0x200, s22;
	[tilespmem:s7+$0x11C30] =	vst v0;
	(pc) =	sbr.rel @p1 .LBB2_7-.Ltmp2, $4  }
0x5d: {  	v0 =	vld [tilespmem:s23+$0x3C30];
	[tilespmem:s7+$0x11C00] =	vst v1  }
0x5e: {  	v1 =	vld [tilespmem:s23+$0x3C00];
	[tilespmem:s7+$0x11C10] =	vst v2  }
0x5f: {  	v2 =	vld [tilespmem:s23+$0x3C10];
	[tilespmem:s7+$0x11C20] =	vst v3;
	s7 =	smov.u32 s23  }
0x60: {  	v3 =	vld [tilespmem:s7+$0x3C20]  }
0x61: {  	_ = 	snop  }
0x62: {  	[tilespmem:s7+$0x11C30] =	vst v0  }
0x63: {  	[tilespmem:s7+$0x11C00] =	vst v1  }
0x64: {  	[tilespmem:s7+$0x11C10] =	vst v2  }
0x65: {  	[tilespmem:s7+$0x11C20] =	vst v3  }
0x66: {  	v0 =	vld [tilespmem:s12+$0x5830]  }
0x67: {  	v1 =	vld [tilespmem:s12+$0x5800]  }
0x68: {  	v2 =	vld [tilespmem:s12+$0x5810]  }
0x69: {  	s7 =	simm.s32 $0x200;
	v3 =	vld [tilespmem:s12+$0x5820]  }
.LBB2_9:
0x6a: {  	p1 =	sne.s32 s7, $0x6200  }
.Ltmp3:
0x6b: {  	s22 =	sshra.s32 s7, $0x2;
	s7 =	sadd.s32 $0x200, s7;
	[tilespmem:s12+$0x13830] =	vst v0;
	(pc) =	sbr.rel @p1 .LBB2_9-.Ltmp3, $4  }
0x6c: {  	v0 =	vld [tilespmem:s22+$0x5830];
	[tilespmem:s12+$0x13800] =	vst v1  }
0x6d: {  	v1 =	vld [tilespmem:s22+$0x5800];
	[tilespmem:s12+$0x13810] =	vst v2  }
0x6e: {  	v2 =	vld [tilespmem:s22+$0x5810];
	[tilespmem:s12+$0x13820] =	vst v3;
	s12 =	smov.u32 s22  }
0x6f: {  	v3 =	vld [tilespmem:s12+$0x5820]  }
0x70: {  	_ = 	snop  }
0x71: {  	[tilespmem:s12+$0x13830] =	vst v0  }
0x72: {  	[tilespmem:s12+$0x13800] =	vst v1  }
0x73: {  	[tilespmem:s12+$0x13810] =	vst v2  }
0x74: {  	s7 =	simm.s32 @!p0 $0x1;
	[tilespmem:s12+$0x13820] =	vst v3  }
0x75: {  	_ =	swait.ge @!p0 [sflag:s7], $0x200  }
0x76: {  	s22 =	simm.s32 @!p0 $0x400;
	[sflag:s7] =	ssyncset.done @!p0 $0x0  }
0x77: {  	s12 =	simm.s32 @!p0 $0x0;
	[sflag:s7] =	ssyncadd.s32 @!p0 $0xFFFFFE00;
	s7 =	simm.s32 @!p0 $0x32  }
0x78: {  	[tilespmem:s22], [sflag:$0x3] =	stream.indirect.gather @!p0 [hbm4b:s4+s7], $0x80, s12, s7, $0xb8;
	[tilespmem:$0x1C400] =	vst v63  }
0x79: {  	s23 =	simm.s32 @!p0 $0x2000;
	s22 =	simm.s32 @!p0 $0x80  }
0x7a: {  	[tilespmem:s23], [sflag:$0x3] =	stream.indirect.gather @!p0 [hbm4b:s4+s7], $0x80, s22, s7, $0xb8;
	[tilespmem:$0x1C400] =	vst v63  }
0x7b: {  	s22 =	simm.s32 @!p0 $0x100;
	s23 =	simm.s32 @!p0 $0x3C00  }
0x7c: {  	[tilespmem:s23], [sflag:$0x3] =	stream.indirect.gather @!p0 [hbm4b:s4+s7], $0x80, s22, s7, $0xb8;
	[tilespmem:$0x1C400] =	vst v63  }
0x7d: {  	s22 =	simm.s32 @!p0 $0x180;
	s23 =	simm.s32 @!p0 $0x5800  }
0x7e: {  	[tilespmem:s23], [sflag:$0x3] =	stream.indirect.gather @!p0 [hbm4b:s4+s7], $0x80, s22, s7, $0xb8;
	[tilespmem:$0x1C400] =	vst v63  }
0x7f: {  	_ =	swait.ge [sflag:s31], $0x1900  }
0x80: {  	[sflag:s31] =	ssyncset.done $0x0  }
0x81: {  	[sflag:s31] =	ssyncadd.s32 $0xFFFFE700  }
0x82: {  	_ =	swait.ge [sflag:s31], $0x1900  }
0x83: {  	[sflag:s31] =	ssyncset.done $0x0  }
0x84: {  	[sflag:s31] =	ssyncadd.s32 $0xFFFFE700  }
0x85: {  	_ =	swait.ge [sflag:s31], $0x1900  }
0x86: {  	[sflag:s31] =	ssyncset.done $0x0  }
0x87: {  	[sflag:s31] =	ssyncadd.s32 $0xFFFFE700  }
0x88: {  	_ =	swait.ge [sflag:s31], $0x1900  }
0x89: {  	[sflag:s31] =	ssyncset.done $0x0  }
0x8a: {  	s5 =	sadd.s32 @!p0 s5, s9;
	s7 =	simm.s32 @!p0 $0x200;
	[sflag:s31] =	ssyncadd.s32 $0xFFFFE700  }
0x8b: {  	[tilespmem:s7], [sflag:$0x2] =	stream.linear.gather @!p0 [hbm4b:s5+s12], $0x200, $0x38;
	[tilespmem:$0x1C400] =	vst v63  }
0x8c: {  	s5 =	simm.s32 $0x0  }
0x8d: {  	v0 =	vld [tilespmem:s5+$0x7430]  }
0x8e: {  	v1 =	vld [tilespmem:s5+$0x7400]  }
0x8f: {  	v2 =	vld [tilespmem:s5+$0x7410]  }
0x90: {  	s12 =	simm.s32 $0x200;
	s7 =	simm.s32 $0x0;
	v3 =	vld [tilespmem:s5+$0x7420]  }
.LBB2_11:
0x91: {  	p0 =	sne.s32 s12, $0x6200  }
.Ltmp4:
0x92: {  	s22 =	sshra.s32 s12, $0x2;
	s12 =	sadd.s32 $0x200, s12;
	[tilespmem:s7+$0x15430] =	vst v0;
	(pc) =	sbr.rel @p0 .LBB2_11-.Ltmp4, $4  }
0x93: {  	v0 =	vld [tilespmem:s22+$0x7430];
	[tilespmem:s7+$0x15400] =	vst v1  }
0x94: {  	v1 =	vld [tilespmem:s22+$0x7400];
	[tilespmem:s7+$0x15410] =	vst v2  }
0x95: {  	v2 =	vld [tilespmem:s22+$0x7410];
	[tilespmem:s7+$0x15420] =	vst v3;
	s7 =	smov.u32 s22  }
0x96: {  	v3 =	vld [tilespmem:s7+$0x7420]  }
0x97: {  	_ = 	snop  }
0x98: {  	[tilespmem:s7+$0x15430] =	vst v0  }
0x99: {  	[tilespmem:s7+$0x15400] =	vst v1  }
0x9a: {  	[tilespmem:s7+$0x15410] =	vst v2  }
0x9b: {  	[tilespmem:s7+$0x15420] =	vst v3  }
0x9c: {  	v0 =	vld [tilespmem:s5+$0x9030]  }
0x9d: {  	v1 =	vld [tilespmem:s5+$0x9000]  }
0x9e: {  	v2 =	vld [tilespmem:s5+$0x9010]  }
0x9f: {  	v3 =	vld [tilespmem:s5+$0x9020]  }
0xa0: {  	s7 =	simm.s32 $0x200  }
.LBB2_13:
0xa1: {  	s12 =	sshra.s32 s7, $0x2;
	p0 =	sne.s32 s7, $0x6200;
	s7 =	sadd.s32 $0x200, s7;
	[tilespmem:s5+$0x17030] =	vst v0  }
.Ltmp5:
0xa2: {  	v0 =	vld [tilespmem:s12+$0x9030];
	[tilespmem:s5+$0x17000] =	vst v1;
	(pc) =	sbr.rel @p0 .LBB2_13-.Ltmp5, $3  }
0xa3: {  	v1 =	vld [tilespmem:s12+$0x9000];
	[tilespmem:s5+$0x17010] =	vst v2  }
0xa4: {  	v2 =	vld [tilespmem:s12+$0x9010];
	[tilespmem:s5+$0x17020] =	vst v3;
	s5 =	smov.u32 s12  }
0xa5: {  	v3 =	vld [tilespmem:s5+$0x9020];
	_ =	sdelay $0x1  }
0xa6: {  	[tilespmem:s5+$0x17030] =	vst v0  }
0xa7: {  	[tilespmem:s5+$0x17000] =	vst v1  }
0xa8: {  	[tilespmem:s5+$0x17010] =	vst v2  }
0xa9: {  	[tilespmem:s5+$0x17020] =	vst v3;
	s5 =	simm.s32 $0x0  }
0xaa: {  	v0 =	vld [tilespmem:s5+$0xAC30]  }
0xab: {  	v1 =	vld [tilespmem:s5+$0xAC00]  }
0xac: {  	v2 =	vld [tilespmem:s5+$0xAC10]  }
0xad: {  	s12 =	simm.s32 $0x200;
	s7 =	simm.s32 $0x0;
	v3 =	vld [tilespmem:s5+$0xAC20]  }
.LBB2_15:
0xae: {  	p0 =	sne.s32 s12, $0x6200  }
.Ltmp6:
0xaf: {  	s22 =	sshra.s32 s12, $0x2;
	s12 =	sadd.s32 $0x200, s12;
	[tilespmem:s7+$0x18C30] =	vst v0;
	(pc) =	sbr.rel @p0 .LBB2_15-.Ltmp6, $4  }
0xb0: {  	v0 =	vld [tilespmem:s22+$0xAC30];
	[tilespmem:s7+$0x18C00] =	vst v1  }
0xb1: {  	v1 =	vld [tilespmem:s22+$0xAC00];
	[tilespmem:s7+$0x18C10] =	vst v2  }
0xb2: {  	v2 =	vld [tilespmem:s22+$0xAC10];
	[tilespmem:s7+$0x18C20] =	vst v3;
	s7 =	smov.u32 s22  }
0xb3: {  	v3 =	vld [tilespmem:s7+$0xAC20]  }
0xb4: {  	_ = 	snop  }
0xb5: {  	[tilespmem:s7+$0x18C30] =	vst v0  }
0xb6: {  	[tilespmem:s7+$0x18C00] =	vst v1  }
0xb7: {  	[tilespmem:s7+$0x18C10] =	vst v2  }
0xb8: {  	[tilespmem:s7+$0x18C20] =	vst v3  }
0xb9: {  	v2 =	vld [tilespmem:s5+$0xC830]  }
0xba: {  	v1 =	vld [tilespmem:s5+$0xC800]  }
0xbb: {  	v0 =	vld [tilespmem:s5+$0xC810]  }
0xbc: {  	s7 =	simm.s32 $0x200;
	v3 =	vld [tilespmem:s5+$0xC820]  }
.LBB2_17:
0xbd: {  	p0 =	sne.s32 s7, $0x6200  }
.Ltmp7:
0xbe: {  	s12 =	sshra.s32 s7, $0x2;
	s7 =	sadd.s32 $0x200, s7;
	[tilespmem:s5+$0x1A830] =	vst v2;
	(pc) =	sbr.rel @p0 .LBB2_17-.Ltmp7, $4  }
0xbf: {  	v2 =	vld [tilespmem:s12+$0xC830];
	[tilespmem:s5+$0x1A800] =	vst v1  }
0xc0: {  	v1 =	vld [tilespmem:s12+$0xC800];
	[tilespmem:s5+$0x1A810] =	vst v0  }
0xc1: {  	v0 =	vld [tilespmem:s12+$0xC810];
	[tilespmem:s5+$0x1A820] =	vst v3;
	s5 =	smov.u32 s12  }
0xc2: {  	v3 =	vld [tilespmem:s5+$0xC820]  }
0xc3: {  	s7 =	sshll.u32 s10, $0x3  }
0xc4: {  	[tilespmem:s5+$0x1A830] =	vst v2;
	s7 =	sadd.s32 s3, s7  }
0xc5: {  	[tilespmem:s5+$0x1A800] =	vst v1;
	s7 =	smul.u32 $0x380, s7  }
0xc6: {  	[tilespmem:s5+$0x1A810] =	vst v0  }
0xc7: {  	[tilespmem:s5+$0x1A820] =	vst v3;
	s5 =	sadd.s32 s6, s7  }
0xc8: {  	[hbm4b:s5+s2] =	stream.linear.scatter [tilespmem:s0], [sflag:$0x5], $0x1900, $0x38;
	[tilespmem:$0x1C400] =	vst v63  }
0xc9: {  	s7 =	sadd.s32 $0x380, s5  }
0xca: {  	[hbm4b:s7+s2] =	stream.linear.scatter [tilespmem:s1], [sflag:$0x5], $0x1900, $0x38;
	[tilespmem:$0x1C400] =	vst v63  }
0xcb: {  	s22 =	sadd.s32 $0x700, s5  }
0xcc: {  	[hbm4b:s22+s2] =	stream.linear.scatter [tilespmem:s14], [sflag:$0x5], $0x1900, $0x38;
	[tilespmem:$0x1C400] =	vst v63  }
0xcd: {  	s23 =	sadd.s32 $0xA80, s5  }
0xce: {  	[hbm4b:s23+s2] =	stream.linear.scatter [tilespmem:s15], [sflag:$0x5], $0x1900, $0x38;
	[tilespmem:$0x1C400] =	vst v63  }
0xcf: {  	s10 =	sadd.s32 $0x1, s10;
	s12 =	sadd.s32 $0xE00, s5  }
0xd0: {  	[hbm4b:s12+s2] =	stream.linear.scatter [tilespmem:s16], [sflag:$0x5], $0x1900, $0x38;
	[tilespmem:$0x1C400] =	vst v63  }
0xd1: {  	p0 =	sne.s32 s10, $0x40;
	s22 =	sadd.s32 $0x1180, s5  }
0xd2: {  	[hbm4b:s22+s2] =	stream.linear.scatter [tilespmem:s17], [sflag:$0x5], $0x1900, $0x38;
	[tilespmem:$0x1C400] =	vst v63  }
.Ltmp8:
0xd3: {  	_ = 	snop;
	(pc) =	sbr.rel @p0 .LBB2_2-.Ltmp8, $4  }
0xd4: {  	s23 =	sadd.s32 $0x1500, s5  }
0xd5: {  	[hbm4b:s23+s2] =	stream.linear.scatter [tilespmem:s18], [sflag:$0x5], $0x1900, $0x38;
	[tilespmem:$0x1C400] =	vst v63  }
0xd6: {  	s5 =	sadd.s32 $0x1880, s5  }
0xd7: {  	[hbm4b:s5+s2] =	stream.linear.scatter [tilespmem:s19], [sflag:$0x5], $0x1900, $0x38;
	[tilespmem:$0x1C400] =	vst v63  }
0xd8: {  	_ =	swait.ge [sflag:s20], $0xC800  }
0xd9: {  	s7 =	rddreg [dreg:$0x6]  }
0xda: {  	s5 =	rddreg [dreg:$0x5];
	s7 =	sadd.s32 $0x1, s7  }
0xdb: {  	p0 =	sne.s32 s7, s5  }
.Ltmp9:
0xdc: {  	_ = 	snop;
	(pc) =	sbr.rel @p0 .LBB2_1-.Ltmp9, $3  }
0xdd: {  	_ =	sdelay $0x1  }
0xde: {  	[sflag:s20] =	ssyncset.done $0x0  }
0xdf: {  	[sflag:s20] =	ssyncadd.s32 $0xFFFF3800  }
0xe0: {  	_ =	sfence.sel $0x180000  }
0xe1: {  	[bflag:$0x0] =	sbarrier.arrive $0xFFFF  }
0xe2: {  	_ =	strace $0x90000047  }
0xe3: {  	s0 =	stileid.u32;
	[bflag:$0x2] =	sbarrier.arrive $0xFFFF  }
0xe4: {  	p0 =	sne.s32 s0, $0x0;
	s0 =	rddreg [dreg:$0x2]  }
0xe5: {  	s0 =	sadd.s32 @!p0 $0x100000, s0  }
0xe6: {  	[sflag:s0] =	ssyncadd.tile.s32 @!p0 $0x1;
	_ =	shalt  }
.Lfunc_end2:
_tile_overlayer_lowered:
.L_overlay_start_2:
0xe7: {  	(tag) =	ssettag $0x2  }
0xe8: {  	s0 =	rddreg [dreg:$0x0];
	s2 =	stileid.u32  }
0xe9: {  	s1 =	rddreg [dreg:$0x1];
	p0 =	sne.s32 s2, $0x0  }
0xea: {  	s3 =	rddreg [dreg:$0x2];
	[bflag:$0x3] =	sbarrier.arrive $0xFFFF;
	s2 =	simm.s32 @!p0 $0x1C06  }
0xeb: {  	[timem:s3], [sflag:s2] =	dma.local @!p0 [hbm:s0], s1  }
0xec: {  	s0 =	simm.s32 @!p0 $0x6  }
0xed: {  	_ =	swait.ge @!p0 [sflag:s0], s1  }
0xee: {  	s1 =	ssub.s32 @!p0 $0x0, s1;
	[sflag:s0] =	ssyncset.done @!p0 $0x0  }
0xef: {  	[sflag:s0] =	ssyncadd.s32 @!p0 s1  }
0xf0: {  	[bflag:$0x3] =	sbarrier.arrive $0xFFFF  }
0xf1: {  	_ =	shalt  }

</sc_bundles>
